<compile_context>
chip_gen: v7x
topology: tpu7x:2x2x1
jax: 0.10.2.dev20260603
libtpu: 0.0.44.dev20260713+nightly
codegen_flags: <defaults>
</compile_context>

<pallas_src>
import functools

import jax
import jax.numpy as jnp
from jax import lax
from jax.experimental import pallas as pl
from jax.experimental.pallas import tpu as pltpu
from jax.experimental.pallas import tpu_sc as plsc

H = 128
IN = 64
OUT = 16
N_FAM = 50000
N_FLW = 100000
E = 320000

NC, NS = 2, 16
EPT = E // NS
WR = 1792
NPASS = 28
RPT = WR // NS
CHUNK = 128
CAP = EPT + 2 * CHUNK
OUT_ROWS = NC * NPASS * WR
GROUPS = EPT // 16


def _sc_segsum_body(src_hbm, dst_hbm, p_hbm, base_hbm, z2_hbm, s_hbm,
                    c_hbm, src_e, dst_e, csrc, cldst, src_ck, ldst_ck, rows,
                    fones, basev, zc, cbuf, acc, cnt, sem):
    cid = lax.axis_index("c")
    sid = lax.axis_index("s")

    pltpu.sync_copy(src_hbm.at[pl.ds(sid * EPT, EPT)], src_e)
    pltpu.sync_copy(dst_hbm.at[pl.ds(sid * EPT, EPT)], dst_e)
    pltpu.sync_copy(base_hbm.at[cid], basev)
    iota = lax.iota(jnp.int32, 16)
    zero16 = jnp.minimum(iota, 0)
    ones16f = jnp.where(iota >= 0, 1.0, 0.0)
    zero16f = jnp.where(iota >= 0, 0.0, 1.0)
    idx15 = jnp.maximum(iota, 15)
    tgt = iota + 1
    for j in range(CHUNK // 16):
        fones[pl.ds(j * 16, 16)] = ones16f

    def zbody(i, carry):
        zc[pl.ds(i * 16, 16)] = zero16f
        return carry

    lax.fori_loop(0, RPT // 16, zbody, jnp.int32(0))
    core_base = basev[pl.ds(0, 16)]

    def pass_body(p, lo):
        base = (cid * NPASS + p) * WR
        pltpu.sync_copy(z2_hbm, acc.at[pl.ds(sid * RPT, RPT)])
        pltpu.sync_copy(zc, cnt.at[pl.ds(sid * RPT, RPT)])
        plsc.subcore_barrier()

        def fbody(i, off):
            outs = []
            for u in range(2):
                d = dst_e[pl.ds((2 * i + u) * 16, 16)]
                s = src_e[pl.ds((2 * i + u) * 16, 16)]
                ld = d - lo
                m = (ld >= 0) & (ld < WR)
                x = jnp.where(m, 1, 0)
                for k in (1, 2, 4, 8):
                    x = x + jnp.where(iota >= k, x[jnp.maximum(iota - k, 0)], 0)
                n_splat = x[idx15]
                idx = idx15
                for k in (8, 4, 2, 1):
                    cand = idx - k
                    ok = (cand >= 0) & (x[jnp.maximum(cand, 0)] >= tgt)
                    idx = jnp.where(ok, cand, idx)
                outs.append((s[idx], ld[idx], n_splat))
            g0s, g0l, n0v = outs[0]
            g1s, g1l, n1v = outs[1]
            sh = iota - n0v
            lo_idx = jnp.maximum(sh, 0)
            hi_idx = jnp.minimum(sh + 16, idx15)
            csrc[pl.ds(off, 16)] = jnp.where(sh < 0, g0s, g1s[lo_idx])
            cldst[pl.ds(off, 16)] = jnp.where(sh < 0, g0l, g1l[lo_idx])
            csrc[pl.ds(off + 16, 16)] = g1s[hi_idx]
            cldst[pl.ds(off + 16, 16)] = g1l[hi_idx]
            return off + n0v[0] + n1v[0]

        nsel = lax.fori_loop(0, GROUPS // 2, fbody, jnp.int32(0))
        for j in range(CHUNK // 16):
            csrc[pl.ds(nsel + j * 16, 16)] = zero16
            cldst[pl.ds(nsel + j * 16, 16)] = zero16 + WR

        def cbody(cix, carry):
            for j in range(CHUNK // 16):
                src_ck[pl.ds(j * 16, 16)] = csrc[pl.ds(cix * CHUNK + j * 16, 16)]
                ldst_ck[pl.ds(j * 16, 16)] = cldst[pl.ds(cix * CHUNK + j * 16, 16)]
            pltpu.async_copy(p_hbm.at[src_ck], rows, sem).wait()
            pltpu.sync_copy(rows, acc.at[ldst_ck], add=True)
            pltpu.sync_copy(fones, cnt.at[ldst_ck], add=True)
            return carry

        nck = (nsel + CHUNK - 1) // CHUNK
        lax.fori_loop(0, nck, cbody, jnp.int32(0))
        plsc.subcore_barrier()
        pltpu.sync_copy(acc.at[pl.ds(sid * RPT, RPT)],
                        s_hbm.at[pl.ds(base + sid * RPT, RPT)])
        pltpu.sync_copy(cnt.at[pl.ds(sid * RPT, RPT)], cbuf)
        pltpu.sync_copy(cbuf, c_hbm.at[pl.ds(base + sid * RPT, RPT)])
        return lo + WR

    lax.fori_loop(0, NPASS, pass_body, core_base)


@functools.cache
def _sc_segsum_kernel():
    return pl.kernel(
        _sc_segsum_body,
        out_type=[jax.ShapeDtypeStruct((OUT_ROWS, H), jnp.float32),
                  jax.ShapeDtypeStruct((OUT_ROWS,), jnp.float32)],
        mesh=plsc.VectorSubcoreMesh(core_axis_name="c", subcore_axis_name="s",
                                    num_cores=NC, num_subcores=NS),
        scratch_types=[
            pltpu.VMEM((EPT,), jnp.int32),
            pltpu.VMEM((EPT,), jnp.int32),
            pltpu.VMEM((CAP,), jnp.int32),
            pltpu.VMEM((CAP,), jnp.int32),
            pltpu.VMEM((CHUNK,), jnp.int32),
            pltpu.VMEM((CHUNK,), jnp.int32),
            pltpu.VMEM((CHUNK, H), jnp.float32),
            pltpu.VMEM((CHUNK,), jnp.float32),
            pltpu.VMEM((16,), jnp.int32),
            pltpu.VMEM((RPT,), jnp.float32),
            pltpu.VMEM((RPT,), jnp.float32),
            pltpu.VMEM_SHARED((WR + 16, H), jnp.float32),
            pltpu.VMEM_SHARED((WR + 16,), jnp.float32),
            pltpu.SemaphoreType.DMA,
        ],
    )


def _sc_segsum(src, dst, p, bases, z2):
    return _sc_segsum_kernel()(src, dst, p, bases, z2)


BLK1 = 2000


def _pext_body(fam_ref, w1t_ref, out_ref):
    out_ref[...] = jnp.dot(fam_ref[...], w1t_ref[...],
                           preferred_element_type=jnp.float32)


def _pext(family_x, w1t):
    return pl.pallas_call(
        _pext_body,
        grid=(N_FAM // BLK1,),
        in_specs=[
            pl.BlockSpec((BLK1, H), lambda i: (i, 0)),
            pl.BlockSpec((H, H), lambda i: (0, 0)),
        ],
        out_specs=pl.BlockSpec((BLK1, H), lambda i: (i, 0)),
        out_shape=jax.ShapeDtypeStruct((N_FAM, H), jnp.float32),
    )(family_x, w1t)


BLK2 = 2000


def _flow_body(s_ref, c_ref, h_ref, w2t_ref, bmsg_ref, wiht_ref, whht_ref,
               bih_ref, bhh_ref, w1_ref, b1_ref, w2_ref, b2_ref, w3_ref,
               b3_ref, out_ref):
    ssum = s_ref[...]
    h = h_ref[...]
    c = c_ref[...]
    gate = jnp.minimum(c, 1.0)
    cmax = jnp.maximum(c, 1.0)
    proj = jnp.dot(h, w2t_ref[...], preferred_element_type=jnp.float32) + bmsg_ref[...]
    mean = ssum / cmax + gate * proj
    gi = jnp.dot(mean, wiht_ref[...], preferred_element_type=jnp.float32) + bih_ref[...]
    gh = jnp.dot(h, whht_ref[...], preferred_element_type=jnp.float32) + bhh_ref[...]
    r = jax.nn.sigmoid(gi[:, :H] + gh[:, :H])
    z = jax.nn.sigmoid(gi[:, H:2 * H] + gh[:, H:2 * H])
    n = jnp.tanh(gi[:, 2 * H:] + r * gh[:, 2 * H:])
    hn = (1.0 - z) * n + z * h
    x = jax.nn.relu(jnp.dot(hn, w1_ref[...], preferred_element_type=jnp.float32) + b1_ref[...])
    x = jax.nn.relu(jnp.dot(x, w2_ref[...], preferred_element_type=jnp.float32) + b2_ref[...])
    logits = jnp.dot(x, w3_ref[...], preferred_element_type=jnp.float32) + b3_ref[...]
    mx = jnp.max(logits, axis=1, keepdims=True)
    e = jnp.exp(logits - mx)
    out_ref[...] = e / jnp.sum(e, axis=1, keepdims=True)


def _flow_update(ssum, cnts, h_flows, w2t, bmsg, wiht, whht, bih, bhh,
                 w1t, b1, w2t_ro, b2, w3t, b3):
    rep = lambda shape: pl.BlockSpec(shape, lambda i: (0, 0))
    return pl.pallas_call(
        _flow_body,
        grid=(N_FLW // BLK2,),
        in_specs=[
            pl.BlockSpec((BLK2, H), lambda i: (i, 0)),
            pl.BlockSpec((BLK2, 1), lambda i: (i, 0)),
            pl.BlockSpec((BLK2, H), lambda i: (i, 0)),
            rep((H, H)), rep((1, H)),
            rep((H, 3 * H)), rep((H, 3 * H)), rep((1, 3 * H)), rep((1, 3 * H)),
            rep((H, H)), rep((1, H)),
            rep((H, 64)), rep((1, 64)),
            rep((64, OUT)), rep((1, OUT)),
        ],
        out_specs=pl.BlockSpec((BLK2, OUT), lambda i: (i, 0)),
        out_shape=jax.ShapeDtypeStruct((N_FLW, OUT), jnp.float32),
    )(ssum, cnts, h_flows, w2t, bmsg, wiht, whht, bih, bhh, w1t, b1, w2t_ro,
      b2, w3t, b3)


def kernel(family_x, group_x, flow_x, f2g_src, f2g_dst, f2f_src, f2f_dst,
           fl2g_src, fl2g_dst, W_msg_fam, b_msg_fam, W_msg_flow, b_msg_flow,
           gru_fam_wih, gru_fam_whh, gru_fam_bih, gru_fam_bhh, gru_flow_wih,
           gru_flow_whh, gru_flow_bih, gru_flow_bhh, ro_w1, ro_b1, ro_w2,
           ro_b2, ro_w3, ro_b3):
    src = f2f_src.astype(jnp.int32)
    dst = f2f_dst.astype(jnp.int32)
    w1t = W_msg_flow[:, :H].T
    w2t = W_msg_flow[:, H:].T
    h_flows = jnp.concatenate(
        [flow_x, jnp.zeros((N_FLW, H - IN), jnp.float32)], axis=1)

    p = _pext(family_x, w1t)
    bases = jnp.tile(
        (jnp.arange(NC, dtype=jnp.int32) * (NPASS * WR))[:, None], (1, 16))
    z2 = jnp.zeros((RPT, H), jnp.float32)
    s_full, c_full = _sc_segsum(src, dst, p, bases, z2)
    ssum = s_full[:N_FLW]
    cnts = c_full[:N_FLW].reshape(N_FLW, 1)

    out = _flow_update(
        ssum, cnts, h_flows, w2t, b_msg_flow.reshape(1, H),
        gru_flow_wih.T, gru_flow_whh.T,
        gru_flow_bih.reshape(1, 3 * H), gru_flow_bhh.reshape(1, 3 * H),
        ro_w1.T, ro_b1.reshape(1, H),
        ro_w2.T, ro_b2.reshape(1, 64),
        ro_w3.T, ro_b3.reshape(1, OUT))
    return out

# --- scband reference (transcript-rebuilt; emitter-appended) ---
"""Pipeline reference for scband-gnnmodel-46901042872651 (READ-ONLY COPY).

The authoritative reference and input builder live on the scoring server;
editing this copy changes nothing except your own understanding.
"""

import jax, jax.numpy as jnp
import numpy as np

H = 128
IN = 64
OUT = 16
N_FAM = 50000
N_GRP = 10000
N_FLW = 100000
E1 = 320000
E2 = 320000
E3 = 320000


def setup_inputs(seed: int = 0):
    key = jax.random.key(seed)
    ks = jax.random.split(key, 32)
    s = 0.05
    inp = {}
    inp['family_x'] = jax.random.normal(ks[0], (N_FAM, H), dtype=jnp.float32)
    inp['group_x'] = jax.random.normal(ks[1], (N_GRP, H), dtype=jnp.float32)
    inp['flow_x'] = jax.random.normal(ks[2], (N_FLW, IN), dtype=jnp.float32)
    inp['f2g_src'] = jax.random.randint(ks[3], (E1,), 0, N_FAM)
    inp['f2g_dst'] = jax.random.randint(ks[4], (E1,), 0, N_GRP)
    inp['f2f_src'] = jax.random.randint(ks[5], (E2,), 0, N_FAM)
    inp['f2f_dst'] = jax.random.randint(ks[6], (E2,), 0, N_FLW)
    inp['fl2g_src'] = jax.random.randint(ks[7], (E3,), 0, N_FLW)
    inp['fl2g_dst'] = jax.random.randint(ks[8], (E3,), 0, N_GRP)
    inp['W_msg_fam'] = jax.random.normal(ks[9], (H, 2 * H), dtype=jnp.float32) * s
    inp['b_msg_fam'] = jax.random.normal(ks[10], (H,), dtype=jnp.float32) * s
    inp['W_msg_flow'] = jax.random.normal(ks[11], (H, 2 * H), dtype=jnp.float32) * s
    inp['b_msg_flow'] = jax.random.normal(ks[12], (H,), dtype=jnp.float32) * s
    inp['gru_fam_wih'] = jax.random.normal(ks[13], (3 * H, H), dtype=jnp.float32) * s
    inp['gru_fam_whh'] = jax.random.normal(ks[14], (3 * H, H), dtype=jnp.float32) * s
    inp['gru_fam_bih'] = jax.random.normal(ks[15], (3 * H,), dtype=jnp.float32) * s
    inp['gru_fam_bhh'] = jax.random.normal(ks[16], (3 * H,), dtype=jnp.float32) * s
    inp['gru_flow_wih'] = jax.random.normal(ks[17], (3 * H, H), dtype=jnp.float32) * s
    inp['gru_flow_whh'] = jax.random.normal(ks[18], (3 * H, H), dtype=jnp.float32) * s
    inp['gru_flow_bih'] = jax.random.normal(ks[19], (3 * H,), dtype=jnp.float32) * s
    inp['gru_flow_bhh'] = jax.random.normal(ks[20], (3 * H,), dtype=jnp.float32) * s
    inp['ro_w1'] = jax.random.normal(ks[21], (H, H), dtype=jnp.float32) * s
    inp['ro_b1'] = jax.random.normal(ks[22], (H,), dtype=jnp.float32) * s
    inp['ro_w2'] = jax.random.normal(ks[23], (64, H), dtype=jnp.float32) * s
    inp['ro_b2'] = jax.random.normal(ks[24], (64,), dtype=jnp.float32) * s
    inp['ro_w3'] = jax.random.normal(ks[25], (OUT, 64), dtype=jnp.float32) * s
    inp['ro_b3'] = jax.random.normal(ks[26], (OUT,), dtype=jnp.float32) * s
    return inp


def _gru(x, h, wih, whh, bih, bhh):
    gi = x @ wih.T + bih
    gh = h @ whh.T + bhh
    ir, iz, inn = jnp.split(gi, 3, axis=1)
    hr, hz, hn = jnp.split(gh, 3, axis=1)
    r = jax.nn.sigmoid(ir + hr)
    z = jax.nn.sigmoid(iz + hz)
    n = jnp.tanh(inn + r * hn)
    return (1.0 - z) * n + z * h


def _scatter_mean(vals, idx, num):
    s = jax.ops.segment_sum(vals, idx, num_segments=num)
    c = jax.ops.segment_sum(jnp.ones((vals.shape[0], 1), dtype=vals.dtype), idx, num_segments=num)
    return s / jnp.maximum(c, 1.0)


def reference(family_x, group_x, flow_x, f2g_src, f2g_dst, f2f_src, f2f_dst, fl2g_src, fl2g_dst, W_msg_fam, b_msg_fam, W_msg_flow, b_msg_flow, gru_fam_wih, gru_fam_whh, gru_fam_bih, gru_fam_bhh, gru_flow_wih, gru_flow_whh, gru_flow_bih, gru_flow_bhh, ro_w1, ro_b1, ro_w2, ro_b2, ro_w3, ro_b3):
    h_family = family_x
    h_group = group_x
    h_flows = jnp.concatenate([flow_x, jnp.zeros((flow_x.shape[0], H - IN), dtype=flow_x.dtype)], axis=1)
    # family -> group messages
    nn_in = jnp.concatenate([h_family[f2g_src], h_group[f2g_dst]], axis=1)
    msg = nn_in @ W_msg_fam.T + b_msg_fam
    f2g_mean = _scatter_mean(msg, f2g_dst, N_GRP)
    # family -> flow messages
    nn_in = jnp.concatenate([h_family[f2f_src], h_flows[f2f_dst]], axis=1)
    msg = nn_in @ W_msg_flow.T + b_msg_flow
    f2f_mean = _scatter_mean(msg, f2f_dst, N_FLW)
    # flow -> group messages
    nn_in = jnp.concatenate([h_flows[fl2g_src], h_group[fl2g_dst]], axis=1)
    msg = nn_in @ W_msg_flow.T + b_msg_flow
    fl2g_mean = _scatter_mean(msg, fl2g_dst, N_GRP)
    # GRU updates (matches original: family update seeded with h_group state)
    h_family = _gru(f2g_mean, h_group, gru_fam_wih, gru_fam_whh, gru_fam_bih, gru_fam_bhh)
    h_flows = _gru(f2f_mean, h_flows, gru_flow_wih, gru_flow_whh, gru_flow_bih, gru_flow_bhh)
    h_group = _gru(fl2g_mean, group_x, gru_fam_wih, gru_fam_whh, gru_fam_bih, gru_fam_bhh)
    # readout (dropout is identity in eval)
    x = jax.nn.relu(h_flows @ ro_w1.T + ro_b1)
    x = jax.nn.relu(x @ ro_w2.T + ro_b2)
    logits = x @ ro_w3.T + ro_b3
    return jax.nn.softmax(logits, axis=1)

if __name__ == "__main__":
    import jax
    _d = setup_inputs()
    print(jax.jit(kernel)(*tuple(_d.values())))

</pallas_src>

<mosaic_0001>
#map = affine_map<(d0, d1) -> (0)>
#map1 = affine_map<(d0, d1) -> (0, 0)>
module attributes {stable_mosaic.version = 14 : i64} {
  func.func @_sc_segsum_body(%arg0: i32, %arg1: i32, %arg2: memref<320000xi32, #tpu.memory_space<hbm>>, %arg3: memref<320000xi32, #tpu.memory_space<hbm>>, %arg4: memref<50000x128xf32, #tpu.memory_space<hbm>>, %arg5: memref<2x16xi32, #tpu.memory_space<hbm>>, %arg6: memref<112x128xf32, #tpu.memory_space<hbm>>, %arg7: memref<100352x128xf32, #tpu.memory_space<hbm>>, %arg8: memref<100352xf32, #tpu.memory_space<hbm>>, %arg9: memref<20000xi32, #tpu.memory_space<vmem>>, %arg10: memref<20000xi32, #tpu.memory_space<vmem>>, %arg11: memref<20256xi32, #tpu.memory_space<vmem>>, %arg12: memref<20256xi32, #tpu.memory_space<vmem>>, %arg13: memref<128xi32, #tpu.memory_space<vmem>>, %arg14: memref<128xi32, #tpu.memory_space<vmem>>, %arg15: memref<128x128xf32, #tpu.memory_space<vmem>>, %arg16: memref<128xf32, #tpu.memory_space<vmem>>, %arg17: memref<16xi32, #tpu.memory_space<vmem>>, %arg18: memref<112xf32, #tpu.memory_space<vmem>>, %arg19: memref<112xf32, #tpu.memory_space<vmem>>, %arg20: memref<1808x128xf32, #tpu.memory_space<vmem_shared>>, %arg21: memref<1808xf32, #tpu.memory_space<vmem_shared>>, %arg22: memref<!tpu.dma_semaphore, #tpu.memory_space<semaphore_mem>>) attributes {dimension_semantics = [#tpu.dimension_semantics<core_parallel>, #tpu.dimension_semantics<subcore_parallel>], iteration_bounds = array<i64: 2, 16>, scalar_prefetch = 0 : i64, scratch_operands = 14 : i64, tpu.core_type = #tpu.core_type<sc_vector_subcore>, window_params = [{transform_indices = #map}, {transform_indices = #map}, {transform_indices = #map1}, {transform_indices = #map1}, {transform_indices = #map1}, {transform_indices = #map1}, {transform_indices = #map}]} {
    %mul3A = arith.constant 20000 : i32
    %mul3A_0 = arith.muli %arg1, %mul3A : i32
    "tpu.region"() ({
      %run_scoped3A = tpu.sem_alloc : memref<!tpu.dma_semaphore, #tpu.memory_space<semaphore_mem>>
      %dma_start3A = tpu.memref_slice %arg2[%mul3A_0] : memref<320000xi32, #tpu.memory_space<hbm>> -> memref<20000xi32, #tpu.memory_space<hbm>>
      %dma_start3A_65 = tpu.memref_slice %arg2[%mul3A_0] : memref<320000xi32, #tpu.memory_space<hbm>> -> memref<20000xi32, #tpu.memory_space<hbm>>
      tpu.enqueue_dma source(%dma_start3A_65 : memref<20000xi32, #tpu.memory_space<hbm>>) target(%arg9 : memref<20000xi32, #tpu.memory_space<vmem>>) target_semaphore(%run_scoped3A : memref<!tpu.dma_semaphore, #tpu.memory_space<semaphore_mem>>)
      %dma_wait3A = tpu.memref_slice %arg2[%mul3A_0] : memref<320000xi32, #tpu.memory_space<hbm>> -> memref<20000xi32, #tpu.memory_space<hbm>>
      %dma_wait3A_66 = tpu.memref_slice %arg2[%mul3A_0] : memref<320000xi32, #tpu.memory_space<hbm>> -> memref<20000xi32, #tpu.memory_space<hbm>>
      tpu.wait_dma2 semaphore(%run_scoped3A : memref<!tpu.dma_semaphore, #tpu.memory_space<semaphore_mem>>) src(%dma_wait3A_66 : memref<20000xi32, #tpu.memory_space<hbm>>) dst(%arg9 : memref<20000xi32, #tpu.memory_space<vmem>>)
      tpu.yield
    }) : () -> ()
    %mul3A_1 = arith.constant 20000 : i32
    %mul3A_2 = arith.muli %arg1, %mul3A_1 : i32
    "tpu.region"() ({
      %run_scoped3A = tpu.sem_alloc : memref<!tpu.dma_semaphore, #tpu.memory_space<semaphore_mem>>
      %dma_start3A = tpu.memref_slice %arg3[%mul3A_2] : memref<320000xi32, #tpu.memory_space<hbm>> -> memref<20000xi32, #tpu.memory_space<hbm>>
      %dma_start3A_65 = tpu.memref_slice %arg3[%mul3A_2] : memref<320000xi32, #tpu.memory_space<hbm>> -> memref<20000xi32, #tpu.memory_space<hbm>>
      tpu.enqueue_dma source(%dma_start3A_65 : memref<20000xi32, #tpu.memory_space<hbm>>) target(%arg10 : memref<20000xi32, #tpu.memory_space<vmem>>) target_semaphore(%run_scoped3A : memref<!tpu.dma_semaphore, #tpu.memory_space<semaphore_mem>>)
      %dma_wait3A = tpu.memref_slice %arg3[%mul3A_2] : memref<320000xi32, #tpu.memory_space<hbm>> -> memref<20000xi32, #tpu.memory_space<hbm>>
      %dma_wait3A_66 = tpu.memref_slice %arg3[%mul3A_2] : memref<320000xi32, #tpu.memory_space<hbm>> -> memref<20000xi32, #tpu.memory_space<hbm>>
      tpu.wait_dma2 semaphore(%run_scoped3A : memref<!tpu.dma_semaphore, #tpu.memory_space<semaphore_mem>>) src(%dma_wait3A_66 : memref<20000xi32, #tpu.memory_space<hbm>>) dst(%arg10 : memref<20000xi32, #tpu.memory_space<vmem>>)
      tpu.yield
    }) : () -> ()
    "tpu.region"() ({
      %run_scoped3A = tpu.sem_alloc : memref<!tpu.dma_semaphore, #tpu.memory_space<semaphore_mem>>
      %dma_start3A = arith.constant 0 : i32
      %dma_start3A_65 = tpu.memref_slice %arg5[%arg0, %dma_start3A] : memref<2x16xi32, #tpu.memory_space<hbm>> -> memref<1x16xi32, #tpu.memory_space<hbm>>
      %dma_start3A_66 = tpu.memref_squeeze %dma_start3A_65 : memref<1x16xi32, #tpu.memory_space<hbm>> -> memref<16xi32, #tpu.memory_space<hbm>>
      %dma_start3A_67 = arith.constant 0 : i32
      %dma_start3A_68 = tpu.memref_slice %arg5[%arg0, %dma_start3A_67] : memref<2x16xi32, #tpu.memory_space<hbm>> -> memref<1x16xi32, #tpu.memory_space<hbm>>
      %dma_start3A_69 = tpu.memref_squeeze %dma_start3A_68 : memref<1x16xi32, #tpu.memory_space<hbm>> -> memref<16xi32, #tpu.memory_space<hbm>>
      tpu.enqueue_dma source(%dma_start3A_69 : memref<16xi32, #tpu.memory_space<hbm>>) target(%arg17 : memref<16xi32, #tpu.memory_space<vmem>>) target_semaphore(%run_scoped3A : memref<!tpu.dma_semaphore, #tpu.memory_space<semaphore_mem>>)
      %dma_wait3A = arith.constant 0 : i32
      %dma_wait3A_70 = tpu.memref_slice %arg5[%arg0, %dma_wait3A] : memref<2x16xi32, #tpu.memory_space<hbm>> -> memref<1x16xi32, #tpu.memory_space<hbm>>
      %dma_wait3A_71 = tpu.memref_squeeze %dma_wait3A_70 : memref<1x16xi32, #tpu.memory_space<hbm>> -> memref<16xi32, #tpu.memory_space<hbm>>
      %dma_wait3A_72 = arith.constant 0 : i32
      %dma_wait3A_73 = tpu.memref_slice %arg5[%arg0, %dma_wait3A_72] : memref<2x16xi32, #tpu.memory_space<hbm>> -> memref<1x16xi32, #tpu.memory_space<hbm>>
      %dma_wait3A_74 = tpu.memref_squeeze %dma_wait3A_73 : memref<1x16xi32, #tpu.memory_space<hbm>> -> memref<16xi32, #tpu.memory_space<hbm>>
      tpu.wait_dma2 semaphore(%run_scoped3A : memref<!tpu.dma_semaphore, #tpu.memory_space<semaphore_mem>>) src(%dma_wait3A_74 : memref<16xi32, #tpu.memory_space<hbm>>) dst(%arg17 : memref<16xi32, #tpu.memory_space<vmem>>)
      tpu.yield
    }) : () -> ()
    %iota3A = tpu.iota {dimensions = array<i32: 0>} : vector<16xi32>
    %min3A = arith.constant 0 : i32
    %min3A_3 = vector.broadcast %min3A : i32 to vector<16xi32>
    %min3A_4 = arith.minsi %iota3A, %min3A_3 : vector<16xi32>
    %ge3A = arith.constant 0 : i32
    %ge3A_5 = vector.broadcast %ge3A : i32 to vector<16xi32>
    %ge3A_6 = arith.cmpi sge, %iota3A, %ge3A_5 : vector<16xi32>
    %jit3A = arith.constant 1.000000e+00 : f32
    %jit3A_7 = arith.constant 0.000000e+00 : f32
    %broadcast_in_dim3A = vector.broadcast %jit3A : f32 to vector<16xf32>
    %broadcast_in_dim3A_8 = vector.broadcast %jit3A_7 : f32 to vector<16xf32>
    %select_n3A = arith.select %ge3A_6, %broadcast_in_dim3A, %broadcast_in_dim3A_8 : vector<16xi1>, vector<16xf32>
    %ge3A_9 = arith.constant 0 : i32
    %ge3A_10 = vector.broadcast %ge3A_9 : i32 to vector<16xi32>
    %ge3A_11 = arith.cmpi sge, %iota3A, %ge3A_10 : vector<16xi32>
    %jit3A_12 = arith.constant 0.000000e+00 : f32
    %jit3A_13 = arith.constant 1.000000e+00 : f32
    %broadcast_in_dim3A_14 = vector.broadcast %jit3A_12 : f32 to vector<16xf32>
    %broadcast_in_dim3A_15 = vector.broadcast %jit3A_13 : f32 to vector<16xf32>
    %select_n3A_16 = arith.select %ge3A_11, %broadcast_in_dim3A_14, %broadcast_in_dim3A_15 : vector<16xi1>, vector<16xf32>
    %max3A = arith.constant 15 : i32
    %max3A_17 = vector.broadcast %max3A : i32 to vector<16xi32>
    %max3A_18 = arith.maxsi %iota3A, %max3A_17 : vector<16xi32>
    %add3A = arith.constant 1 : i32
    %add3A_19 = vector.broadcast %add3A : i32 to vector<16xi32>
    %add3A_20 = arith.addi %iota3A, %add3A_19 : vector<16xi32>
    %swap3A = arith.constant 0 : index
    %swap3A_21 = tpu.vector_load %arg16[%swap3A] {strides = array<i32>} : memref<128xf32, #tpu.memory_space<vmem>>, vector<16xf32>,
    %swap3A_22 = vector.shape_cast %swap3A_21 : vector<16xf32> to vector<16xf32>
    %swap3A_23 = vector.shape_cast %select_n3A : vector<16xf32> to vector<16xf32>
    tpu.vector_store %arg16[%swap3A], %swap3A_23 {strides = array<i32>} : memref<128xf32, #tpu.memory_space<vmem>>, vector<16xf32>,
    %swap3A_24 = arith.constant 16 : index
    %swap3A_25 = tpu.vector_load %arg16[%swap3A_24] {strides = array<i32>} : memref<128xf32, #tpu.memory_space<vmem>>, vector<16xf32>,
    %swap3A_26 = vector.shape_cast %swap3A_25 : vector<16xf32> to vector<16xf32>
    %swap3A_27 = vector.shape_cast %select_n3A : vector<16xf32> to vector<16xf32>
    tpu.vector_store %arg16[%swap3A_24], %swap3A_27 {strides = array<i32>} : memref<128xf32, #tpu.memory_space<vmem>>, vector<16xf32>,
    %swap3A_28 = arith.constant 32 : index
    %swap3A_29 = tpu.vector_load %arg16[%swap3A_28] {strides = array<i32>} : memref<128xf32, #tpu.memory_space<vmem>>, vector<16xf32>,
    %swap3A_30 = vector.shape_cast %swap3A_29 : vector<16xf32> to vector<16xf32>
    %swap3A_31 = vector.shape_cast %select_n3A : vector<16xf32> to vector<16xf32>
    tpu.vector_store %arg16[%swap3A_28], %swap3A_31 {strides = array<i32>} : memref<128xf32, #tpu.memory_space<vmem>>, vector<16xf32>,
    %swap3A_32 = arith.constant 48 : index
    %swap3A_33 = tpu.vector_load %arg16[%swap3A_32] {strides = array<i32>} : memref<128xf32, #tpu.memory_space<vmem>>, vector<16xf32>,
    %swap3A_34 = vector.shape_cast %swap3A_33 : vector<16xf32> to vector<16xf32>
    %swap3A_35 = vector.shape_cast %select_n3A : vector<16xf32> to vector<16xf32>
    tpu.vector_store %arg16[%swap3A_32], %swap3A_35 {strides = array<i32>} : memref<128xf32, #tpu.memory_space<vmem>>, vector<16xf32>,
    %swap3A_36 = arith.constant 64 : index
    %swap3A_37 = tpu.vector_load %arg16[%swap3A_36] {strides = array<i32>} : memref<128xf32, #tpu.memory_space<vmem>>, vector<16xf32>,
    %swap3A_38 = vector.shape_cast %swap3A_37 : vector<16xf32> to vector<16xf32>
    %swap3A_39 = vector.shape_cast %select_n3A : vector<16xf32> to vector<16xf32>
    tpu.vector_store %arg16[%swap3A_36], %swap3A_39 {strides = array<i32>} : memref<128xf32, #tpu.memory_space<vmem>>, vector<16xf32>,
    %swap3A_40 = arith.constant 80 : index
    %swap3A_41 = tpu.vector_load %arg16[%swap3A_40] {strides = array<i32>} : memref<128xf32, #tpu.memory_space<vmem>>, vector<16xf32>,
    %swap3A_42 = vector.shape_cast %swap3A_41 : vector<16xf32> to vector<16xf32>
    %swap3A_43 = vector.shape_cast %select_n3A : vector<16xf32> to vector<16xf32>
    tpu.vector_store %arg16[%swap3A_40], %swap3A_43 {strides = array<i32>} : memref<128xf32, #tpu.memory_space<vmem>>, vector<16xf32>,
    %swap3A_44 = arith.constant 96 : index
    %swap3A_45 = tpu.vector_load %arg16[%swap3A_44] {strides = array<i32>} : memref<128xf32, #tpu.memory_space<vmem>>, vector<16xf32>,
    %swap3A_46 = vector.shape_cast %swap3A_45 : vector<16xf32> to vector<16xf32>
    %swap3A_47 = vector.shape_cast %select_n3A : vector<16xf32> to vector<16xf32>
    tpu.vector_store %arg16[%swap3A_44], %swap3A_47 {strides = array<i32>} : memref<128xf32, #tpu.memory_space<vmem>>, vector<16xf32>,
    %swap3A_48 = arith.constant 112 : index
    %swap3A_49 = tpu.vector_load %arg16[%swap3A_48] {strides = array<i32>} : memref<128xf32, #tpu.memory_space<vmem>>, vector<16xf32>,
    %swap3A_50 = vector.shape_cast %swap3A_49 : vector<16xf32> to vector<16xf32>
    %swap3A_51 = vector.shape_cast %select_n3A : vector<16xf32> to vector<16xf32>
    tpu.vector_store %arg16[%swap3A_48], %swap3A_51 {strides = array<i32>} : memref<128xf32, #tpu.memory_space<vmem>>, vector<16xf32>,
    %scan3A = arith.constant 0 : i32
    %scan3A_52 = arith.constant 0 : i32
    %scan3A_53 = arith.constant 7 : i32
    %scan3A_54 = arith.addi %scan3A_52, %scan3A_53 : i32
    %scan3A_55 = arith.constant 1 : i32
    scf.for %scan3A_65 = %scan3A_52 to %scan3A_54 step %scan3A_55  : i32 {
      %mul3A_66 = arith.constant 16 : i32
      %mul3A_67 = arith.muli %scan3A_65, %mul3A_66 : i32
      %swap3A_68 = arith.index_cast %mul3A_67 : i32 to index
      %swap3A_69 = tpu.vector_load %arg18[%swap3A_68] {strides = array<i32>} : memref<112xf32, #tpu.memory_space<vmem>>, vector<16xf32>,
      %swap3A_70 = vector.shape_cast %swap3A_69 : vector<16xf32> to vector<16xf32>
      %swap3A_71 = vector.shape_cast %select_n3A_16 : vector<16xf32> to vector<16xf32>
      tpu.vector_store %arg18[%swap3A_68], %swap3A_71 {strides = array<i32>} : memref<112xf32, #tpu.memory_space<vmem>>, vector<16xf32>,
    }
    %scan3A_56 = arith.constant 7 : i32
    %get3A = arith.constant 0 : index
    %get3A_57 = tpu.vector_load %arg17[%get3A] {strides = array<i32>} : memref<16xi32, #tpu.memory_space<vmem>>, vector<16xi32>,
    %get3A_58 = vector.shape_cast %get3A_57 : vector<16xi32> to vector<16xi32>
    %scan3A_59 = arith.constant 0 : i32
    %scan3A_60 = arith.constant 28 : i32
    %scan3A_61 = arith.addi %scan3A_59, %scan3A_60 : i32
    %scan3A_62 = arith.constant 1 : i32
    %scan3A_63 = scf.for %scan3A_65 = %scan3A_59 to %scan3A_61 step %scan3A_62 iter_args(%scan3A_66 = %get3A_58) -> (vector<16xi32>)  : i32 {
      %mul3A_67 = arith.constant 28 : i32
      %mul3A_68 = arith.muli %arg0, %mul3A_67 : i32
      %add3A_69 = arith.addi %mul3A_68, %scan3A_65 : i32
      %mul3A_70 = arith.constant 1792 : i32
      %mul3A_71 = arith.muli %add3A_69, %mul3A_70 : i32
      %mul3A_72 = arith.constant 112 : i32
      %mul3A_73 = arith.muli %arg1, %mul3A_72 : i32
      "tpu.region"() ({
        %run_scoped3A = tpu.sem_alloc : memref<!tpu.dma_semaphore, #tpu.memory_space<semaphore_mem>>
        %dma_start3A = arith.constant 0 : i32
        %dma_start3A_248 = tpu.memref_slice %arg20[%mul3A_73, %dma_start3A] : memref<1808x128xf32, #tpu.memory_space<vmem_shared>> -> memref<112x128xf32, #tpu.memory_space<vmem_shared>>
        tpu.enqueue_dma source(%arg6 : memref<112x128xf32, #tpu.memory_space<hbm>>) target(%dma_start3A_248 : memref<112x128xf32, #tpu.memory_space<vmem_shared>>) target_semaphore(%run_scoped3A : memref<!tpu.dma_semaphore, #tpu.memory_space<semaphore_mem>>)
        %dma_wait3A = arith.constant 0 : i32
        %dma_wait3A_249 = tpu.memref_slice %arg20[%mul3A_73, %dma_wait3A] : memref<1808x128xf32, #tpu.memory_space<vmem_shared>> -> memref<112x128xf32, #tpu.memory_space<vmem_shared>>
        tpu.wait_dma2 semaphore(%run_scoped3A : memref<!tpu.dma_semaphore, #tpu.memory_space<semaphore_mem>>) src(%arg6 : memref<112x128xf32, #tpu.memory_space<hbm>>) dst(%dma_wait3A_249 : memref<112x128xf32, #tpu.memory_space<vmem_shared>>)
        tpu.yield
      }) : () -> ()
      %mul3A_74 = arith.constant 112 : i32
      %mul3A_75 = arith.muli %arg1, %mul3A_74 : i32
      "tpu.region"() ({
        %run_scoped3A = tpu.sem_alloc : memref<!tpu.dma_semaphore, #tpu.memory_space<semaphore_mem>>
        %dma_start3A = tpu.memref_slice %arg21[%mul3A_75] : memref<1808xf32, #tpu.memory_space<vmem_shared>> -> memref<112xf32, #tpu.memory_space<vmem_shared>>
        %dma_start3A_248 = tpu.memref_slice %arg21[%mul3A_75] : memref<1808xf32, #tpu.memory_space<vmem_shared>> -> memref<112xf32, #tpu.memory_space<vmem_shared>>
        tpu.enqueue_dma source(%arg18 : memref<112xf32, #tpu.memory_space<vmem>>) target(%dma_start3A_248 : memref<112xf32, #tpu.memory_space<vmem_shared>>) target_semaphore(%run_scoped3A : memref<!tpu.dma_semaphore, #tpu.memory_space<semaphore_mem>>)
        %dma_wait3A = tpu.memref_slice %arg21[%mul3A_75] : memref<1808xf32, #tpu.memory_space<vmem_shared>> -> memref<112xf32, #tpu.memory_space<vmem_shared>>
        %dma_wait3A_249 = tpu.memref_slice %arg21[%mul3A_75] : memref<1808xf32, #tpu.memory_space<vmem_shared>> -> memref<112xf32, #tpu.memory_space<vmem_shared>>
        tpu.wait_dma2 semaphore(%run_scoped3A : memref<!tpu.dma_semaphore, #tpu.memory_space<semaphore_mem>>) src(%arg18 : memref<112xf32, #tpu.memory_space<vmem>>) dst(%dma_wait3A_249 : memref<112xf32, #tpu.memory_space<vmem_shared>>)
        tpu.yield
      }) : () -> ()
      %barrier3A = arith.constant 0 : index
      tpu.barrier barrier_id(%barrier3A)
      %scan3A_76 = arith.constant 0 : i32
      %scan3A_77 = arith.constant 0 : i32
      %scan3A_78 = arith.constant 625 : i32
      %scan3A_79 = arith.addi %scan3A_77, %scan3A_78 : i32
      %scan3A_80 = arith.constant 1 : i32
      %scan3A_81 = scf.for %scan3A_248 = %scan3A_77 to %scan3A_79 step %scan3A_80 iter_args(%scan3A_249 = %scan3A_76) -> (i32)  : i32 {
        %mul3A_250 = arith.constant 2 : i32
        %mul3A_251 = arith.muli %mul3A_250, %scan3A_248 : i32
        %add3A_252 = arith.constant 0 : i32
        %add3A_253 = arith.addi %mul3A_251, %add3A_252 : i32
        %mul3A_254 = arith.constant 16 : i32
        %mul3A_255 = arith.muli %add3A_253, %mul3A_254 : i32
        %get3A_256 = arith.index_cast %mul3A_255 : i32 to index
        %get3A_257 = tpu.vector_load %arg10[%get3A_256] {strides = array<i32>} : memref<20000xi32, #tpu.memory_space<vmem>>, vector<16xi32>,
        %get3A_258 = vector.shape_cast %get3A_257 : vector<16xi32> to vector<16xi32>
        %mul3A_259 = arith.constant 2 : i32
        %mul3A_260 = arith.muli %mul3A_259, %scan3A_248 : i32
        %add3A_261 = arith.constant 0 : i32
        %add3A_262 = arith.addi %mul3A_260, %add3A_261 : i32
        %mul3A_263 = arith.constant 16 : i32
        %mul3A_264 = arith.muli %add3A_262, %mul3A_263 : i32
        %get3A_265 = arith.index_cast %mul3A_264 : i32 to index
        %get3A_266 = tpu.vector_load %arg9[%get3A_265] {strides = array<i32>} : memref<20000xi32, #tpu.memory_space<vmem>>, vector<16xi32>,
        %get3A_267 = vector.shape_cast %get3A_266 : vector<16xi32> to vector<16xi32>
        %sub3A_268 = arith.subi %get3A_258, %scan3A_66 : vector<16xi32>
        %ge3A_269 = arith.constant 0 : i32
        %ge3A_270 = vector.broadcast %ge3A_269 : i32 to vector<16xi32>
        %ge3A_271 = arith.cmpi sge, %sub3A_268, %ge3A_270 : vector<16xi32>
        %lt3A = arith.constant 1792 : i32
        %lt3A_272 = vector.broadcast %lt3A : i32 to vector<16xi32>
        %lt3A_273 = arith.cmpi slt, %sub3A_268, %lt3A_272 : vector<16xi32>
        %and3A_274 = arith.andi %ge3A_271, %lt3A_273 : vector<16xi1>
        %jit3A_275 = arith.constant 1 : i32
        %jit3A_276 = arith.constant 0 : i32
        %broadcast_in_dim3A_277 = vector.broadcast %jit3A_275 : i32 to vector<16xi32>
        %broadcast_in_dim3A_278 = vector.broadcast %jit3A_276 : i32 to vector<16xi32>
        %select_n3A_279 = arith.select %and3A_274, %broadcast_in_dim3A_277, %broadcast_in_dim3A_278 : vector<16xi1>, vector<16xi32>
        %ge3A_280 = arith.constant 1 : i32
        %ge3A_281 = vector.broadcast %ge3A_280 : i32 to vector<16xi32>
        %ge3A_282 = arith.cmpi sge, %iota3A, %ge3A_281 : vector<16xi32>
        %sub3A_283 = arith.constant 1 : i32
        %sub3A_284 = vector.broadcast %sub3A_283 : i32 to vector<16xi32>
        %sub3A_285 = arith.subi %iota3A, %sub3A_284 : vector<16xi32>
        %max3A_286 = arith.constant 0 : i32
        %max3A_287 = vector.broadcast %max3A_286 : i32 to vector<16xi32>
        %max3A_288 = arith.maxsi %sub3A_285, %max3A_287 : vector<16xi32>
        %lt3A_289 = arith.constant 0 : i32
        %lt3A_290 = vector.broadcast %lt3A_289 : i32 to vector<16xi32>
        %lt3A_291 = arith.cmpi slt, %max3A_288, %lt3A_290 : vector<16xi32>
        %add3A_292 = arith.constant 16 : i32
        %add3A_293 = vector.broadcast %add3A_292 : i32 to vector<16xi32>
        %add3A_294 = arith.addi %max3A_288, %add3A_293 : vector<16xi32>
        %select_n3A_295 = arith.select %lt3A_291, %add3A_294, %max3A_288 : vector<16xi1>, vector<16xi32>
        %broadcast_in_dim3A_296 = vector.shape_cast %select_n3A_295 : vector<16xi32> to vector<16x1xi32>
        %gather3A = vector.shape_cast %broadcast_in_dim3A_296 : vector<16x1xi32> to vector<16xi32>
        %gather3A_297 = tpu.dynamic_gather %select_n3A_279[%gather3A] in [0] : vector<16xi32>, vector<16xi32> -> vector<16xi32>
        %jit3A_298 = arith.constant 0 : i32
        %broadcast_in_dim3A_299 = vector.broadcast %jit3A_298 : i32 to vector<16xi32>
        %select_n3A_300 = arith.select %ge3A_282, %gather3A_297, %broadcast_in_dim3A_299 : vector<16xi1>, vector<16xi32>
        %add3A_301 = arith.addi %select_n3A_279, %select_n3A_300 : vector<16xi32>
        %ge3A_302 = arith.constant 2 : i32
        %ge3A_303 = vector.broadcast %ge3A_302 : i32 to vector<16xi32>
        %ge3A_304 = arith.cmpi sge, %iota3A, %ge3A_303 : vector<16xi32>
        %sub3A_305 = arith.constant 2 : i32
        %sub3A_306 = vector.broadcast %sub3A_305 : i32 to vector<16xi32>
        %sub3A_307 = arith.subi %iota3A, %sub3A_306 : vector<16xi32>
        %max3A_308 = arith.constant 0 : i32
        %max3A_309 = vector.broadcast %max3A_308 : i32 to vector<16xi32>
        %max3A_310 = arith.maxsi %sub3A_307, %max3A_309 : vector<16xi32>
        %lt3A_311 = arith.constant 0 : i32
        %lt3A_312 = vector.broadcast %lt3A_311 : i32 to vector<16xi32>
        %lt3A_313 = arith.cmpi slt, %max3A_310, %lt3A_312 : vector<16xi32>
        %add3A_314 = arith.constant 16 : i32
        %add3A_315 = vector.broadcast %add3A_314 : i32 to vector<16xi32>
        %add3A_316 = arith.addi %max3A_310, %add3A_315 : vector<16xi32>
        %select_n3A_317 = arith.select %lt3A_313, %add3A_316, %max3A_310 : vector<16xi1>, vector<16xi32>
        %broadcast_in_dim3A_318 = vector.shape_cast %select_n3A_317 : vector<16xi32> to vector<16x1xi32>
        %gather3A_319 = vector.shape_cast %broadcast_in_dim3A_318 : vector<16x1xi32> to vector<16xi32>
        %gather3A_320 = tpu.dynamic_gather %add3A_301[%gather3A_319] in [0] : vector<16xi32>, vector<16xi32> -> vector<16xi32>
        %jit3A_321 = arith.constant 0 : i32
        %broadcast_in_dim3A_322 = vector.broadcast %jit3A_321 : i32 to vector<16xi32>
        %select_n3A_323 = arith.select %ge3A_304, %gather3A_320, %broadcast_in_dim3A_322 : vector<16xi1>, vector<16xi32>
        %add3A_324 = arith.addi %add3A_301, %select_n3A_323 : vector<16xi32>
        %ge3A_325 = arith.constant 4 : i32
        %ge3A_326 = vector.broadcast %ge3A_325 : i32 to vector<16xi32>
        %ge3A_327 = arith.cmpi sge, %iota3A, %ge3A_326 : vector<16xi32>
        %sub3A_328 = arith.constant 4 : i32
        %sub3A_329 = vector.broadcast %sub3A_328 : i32 to vector<16xi32>
        %sub3A_330 = arith.subi %iota3A, %sub3A_329 : vector<16xi32>
        %max3A_331 = arith.constant 0 : i32
        %max3A_332 = vector.broadcast %max3A_331 : i32 to vector<16xi32>
        %max3A_333 = arith.maxsi %sub3A_330, %max3A_332 : vector<16xi32>
        %lt3A_334 = arith.constant 0 : i32
        %lt3A_335 = vector.broadcast %lt3A_334 : i32 to vector<16xi32>
        %lt3A_336 = arith.cmpi slt, %max3A_333, %lt3A_335 : vector<16xi32>
        %add3A_337 = arith.constant 16 : i32
        %add3A_338 = vector.broadcast %add3A_337 : i32 to vector<16xi32>
        %add3A_339 = arith.addi %max3A_333, %add3A_338 : vector<16xi32>
        %select_n3A_340 = arith.select %lt3A_336, %add3A_339, %max3A_333 : vector<16xi1>, vector<16xi32>
        %broadcast_in_dim3A_341 = vector.shape_cast %select_n3A_340 : vector<16xi32> to vector<16x1xi32>
        %gather3A_342 = vector.shape_cast %broadcast_in_dim3A_341 : vector<16x1xi32> to vector<16xi32>
        %gather3A_343 = tpu.dynamic_gather %add3A_324[%gather3A_342] in [0] : vector<16xi32>, vector<16xi32> -> vector<16xi32>
        %jit3A_344 = arith.constant 0 : i32
        %broadcast_in_dim3A_345 = vector.broadcast %jit3A_344 : i32 to vector<16xi32>
        %select_n3A_346 = arith.select %ge3A_327, %gather3A_343, %broadcast_in_dim3A_345 : vector<16xi1>, vector<16xi32>
        %add3A_347 = arith.addi %add3A_324, %select_n3A_346 : vector<16xi32>
        %ge3A_348 = arith.constant 8 : i32
        %ge3A_349 = vector.broadcast %ge3A_348 : i32 to vector<16xi32>
        %ge3A_350 = arith.cmpi sge, %iota3A, %ge3A_349 : vector<16xi32>
        %sub3A_351 = arith.constant 8 : i32
        %sub3A_352 = vector.broadcast %sub3A_351 : i32 to vector<16xi32>
        %sub3A_353 = arith.subi %iota3A, %sub3A_352 : vector<16xi32>
        %max3A_354 = arith.constant 0 : i32
        %max3A_355 = vector.broadcast %max3A_354 : i32 to vector<16xi32>
        %max3A_356 = arith.maxsi %sub3A_353, %max3A_355 : vector<16xi32>
        %lt3A_357 = arith.constant 0 : i32
        %lt3A_358 = vector.broadcast %lt3A_357 : i32 to vector<16xi32>
        %lt3A_359 = arith.cmpi slt, %max3A_356, %lt3A_358 : vector<16xi32>
        %add3A_360 = arith.constant 16 : i32
        %add3A_361 = vector.broadcast %add3A_360 : i32 to vector<16xi32>
        %add3A_362 = arith.addi %max3A_356, %add3A_361 : vector<16xi32>
        %select_n3A_363 = arith.select %lt3A_359, %add3A_362, %max3A_356 : vector<16xi1>, vector<16xi32>
        %broadcast_in_dim3A_364 = vector.shape_cast %select_n3A_363 : vector<16xi32> to vector<16x1xi32>
        %gather3A_365 = vector.shape_cast %broadcast_in_dim3A_364 : vector<16x1xi32> to vector<16xi32>
        %gather3A_366 = tpu.dynamic_gather %add3A_347[%gather3A_365] in [0] : vector<16xi32>, vector<16xi32> -> vector<16xi32>
        %jit3A_367 = arith.constant 0 : i32
        %broadcast_in_dim3A_368 = vector.broadcast %jit3A_367 : i32 to vector<16xi32>
        %select_n3A_369 = arith.select %ge3A_350, %gather3A_366, %broadcast_in_dim3A_368 : vector<16xi1>, vector<16xi32>
        %add3A_370 = arith.addi %add3A_347, %select_n3A_369 : vector<16xi32>
        %lt3A_371 = arith.constant 0 : i32
        %lt3A_372 = vector.broadcast %lt3A_371 : i32 to vector<16xi32>
        %lt3A_373 = arith.cmpi slt, %max3A_18, %lt3A_372 : vector<16xi32>
        %add3A_374 = arith.constant 16 : i32
        %add3A_375 = vector.broadcast %add3A_374 : i32 to vector<16xi32>
        %add3A_376 = arith.addi %max3A_18, %add3A_375 : vector<16xi32>
        %select_n3A_377 = arith.select %lt3A_373, %add3A_376, %max3A_18 : vector<16xi1>, vector<16xi32>
        %broadcast_in_dim3A_378 = vector.shape_cast %select_n3A_377 : vector<16xi32> to vector<16x1xi32>
        %gather3A_379 = vector.shape_cast %broadcast_in_dim3A_378 : vector<16x1xi32> to vector<16xi32>
        %gather3A_380 = tpu.dynamic_gather %add3A_370[%gather3A_379] in [0] : vector<16xi32>, vector<16xi32> -> vector<16xi32>
        %sub3A_381 = arith.constant 8 : i32
        %sub3A_382 = vector.broadcast %sub3A_381 : i32 to vector<16xi32>
        %sub3A_383 = arith.subi %max3A_18, %sub3A_382 : vector<16xi32>
        %ge3A_384 = arith.constant 0 : i32
        %ge3A_385 = vector.broadcast %ge3A_384 : i32 to vector<16xi32>
        %ge3A_386 = arith.cmpi sge, %sub3A_383, %ge3A_385 : vector<16xi32>
        %max3A_387 = arith.constant 0 : i32
        %max3A_388 = vector.broadcast %max3A_387 : i32 to vector<16xi32>
        %max3A_389 = arith.maxsi %sub3A_383, %max3A_388 : vector<16xi32>
        %lt3A_390 = arith.constant 0 : i32
        %lt3A_391 = vector.broadcast %lt3A_390 : i32 to vector<16xi32>
        %lt3A_392 = arith.cmpi slt, %max3A_389, %lt3A_391 : vector<16xi32>
        %add3A_393 = arith.constant 16 : i32
        %add3A_394 = vector.broadcast %add3A_393 : i32 to vector<16xi32>
        %add3A_395 = arith.addi %max3A_389, %add3A_394 : vector<16xi32>
        %select_n3A_396 = arith.select %lt3A_392, %add3A_395, %max3A_389 : vector<16xi1>, vector<16xi32>
        %broadcast_in_dim3A_397 = vector.shape_cast %select_n3A_396 : vector<16xi32> to vector<16x1xi32>
        %gather3A_398 = vector.shape_cast %broadcast_in_dim3A_397 : vector<16x1xi32> to vector<16xi32>
        %gather3A_399 = tpu.dynamic_gather %add3A_370[%gather3A_398] in [0] : vector<16xi32>, vector<16xi32> -> vector<16xi32>
        %ge3A_400 = arith.cmpi sge, %gather3A_399, %add3A_20 : vector<16xi32>
        %and3A_401 = arith.andi %ge3A_386, %ge3A_400 : vector<16xi1>
        %select_n3A_402 = arith.select %and3A_401, %sub3A_383, %max3A_18 : vector<16xi1>, vector<16xi32>
        %sub3A_403 = arith.constant 4 : i32
        %sub3A_404 = vector.broadcast %sub3A_403 : i32 to vector<16xi32>
        %sub3A_405 = arith.subi %select_n3A_402, %sub3A_404 : vector<16xi32>
        %ge3A_406 = arith.constant 0 : i32
        %ge3A_407 = vector.broadcast %ge3A_406 : i32 to vector<16xi32>
        %ge3A_408 = arith.cmpi sge, %sub3A_405, %ge3A_407 : vector<16xi32>
        %max3A_409 = arith.constant 0 : i32
        %max3A_410 = vector.broadcast %max3A_409 : i32 to vector<16xi32>
        %max3A_411 = arith.maxsi %sub3A_405, %max3A_410 : vector<16xi32>
        %lt3A_412 = arith.constant 0 : i32
        %lt3A_413 = vector.broadcast %lt3A_412 : i32 to vector<16xi32>
        %lt3A_414 = arith.cmpi slt, %max3A_411, %lt3A_413 : vector<16xi32>
        %add3A_415 = arith.constant 16 : i32
        %add3A_416 = vector.broadcast %add3A_415 : i32 to vector<16xi32>
        %add3A_417 = arith.addi %max3A_411, %add3A_416 : vector<16xi32>
        %select_n3A_418 = arith.select %lt3A_414, %add3A_417, %max3A_411 : vector<16xi1>, vector<16xi32>
        %broadcast_in_dim3A_419 = vector.shape_cast %select_n3A_418 : vector<16xi32> to vector<16x1xi32>
        %gather3A_420 = vector.shape_cast %broadcast_in_dim3A_419 : vector<16x1xi32> to vector<16xi32>
        %gather3A_421 = tpu.dynamic_gather %add3A_370[%gather3A_420] in [0] : vector<16xi32>, vector<16xi32> -> vector<16xi32>
        %ge3A_422 = arith.cmpi sge, %gather3A_421, %add3A_20 : vector<16xi32>
        %and3A_423 = arith.andi %ge3A_408, %ge3A_422 : vector<16xi1>
        %select_n3A_424 = arith.select %and3A_423, %sub3A_405, %select_n3A_402 : vector<16xi1>, vector<16xi32>
        %sub3A_425 = arith.constant 2 : i32
        %sub3A_426 = vector.broadcast %sub3A_425 : i32 to vector<16xi32>
        %sub3A_427 = arith.subi %select_n3A_424, %sub3A_426 : vector<16xi32>
        %ge3A_428 = arith.constant 0 : i32
        %ge3A_429 = vector.broadcast %ge3A_428 : i32 to vector<16xi32>
        %ge3A_430 = arith.cmpi sge, %sub3A_427, %ge3A_429 : vector<16xi32>
        %max3A_431 = arith.constant 0 : i32
        %max3A_432 = vector.broadcast %max3A_431 : i32 to vector<16xi32>
        %max3A_433 = arith.maxsi %sub3A_427, %max3A_432 : vector<16xi32>
        %lt3A_434 = arith.constant 0 : i32
        %lt3A_435 = vector.broadcast %lt3A_434 : i32 to vector<16xi32>
        %lt3A_436 = arith.cmpi slt, %max3A_433, %lt3A_435 : vector<16xi32>
        %add3A_437 = arith.constant 16 : i32
        %add3A_438 = vector.broadcast %add3A_437 : i32 to vector<16xi32>
        %add3A_439 = arith.addi %max3A_433, %add3A_438 : vector<16xi32>
        %select_n3A_440 = arith.select %lt3A_436, %add3A_439, %max3A_433 : vector<16xi1>, vector<16xi32>
        %broadcast_in_dim3A_441 = vector.shape_cast %select_n3A_440 : vector<16xi32> to vector<16x1xi32>
        %gather3A_442 = vector.shape_cast %broadcast_in_dim3A_441 : vector<16x1xi32> to vector<16xi32>
        %gather3A_443 = tpu.dynamic_gather %add3A_370[%gather3A_442] in [0] : vector<16xi32>, vector<16xi32> -> vector<16xi32>
        %ge3A_444 = arith.cmpi sge, %gather3A_443, %add3A_20 : vector<16xi32>
        %and3A_445 = arith.andi %ge3A_430, %ge3A_444 : vector<16xi1>
        %select_n3A_446 = arith.select %and3A_445, %sub3A_427, %select_n3A_424 : vector<16xi1>, vector<16xi32>
        %sub3A_447 = arith.constant 1 : i32
        %sub3A_448 = vector.broadcast %sub3A_447 : i32 to vector<16xi32>
        %sub3A_449 = arith.subi %select_n3A_446, %sub3A_448 : vector<16xi32>
        %ge3A_450 = arith.constant 0 : i32
        %ge3A_451 = vector.broadcast %ge3A_450 : i32 to vector<16xi32>
        %ge3A_452 = arith.cmpi sge, %sub3A_449, %ge3A_451 : vector<16xi32>
        %max3A_453 = arith.constant 0 : i32
        %max3A_454 = vector.broadcast %max3A_453 : i32 to vector<16xi32>
        %max3A_455 = arith.maxsi %sub3A_449, %max3A_454 : vector<16xi32>
        %lt3A_456 = arith.constant 0 : i32
        %lt3A_457 = vector.broadcast %lt3A_456 : i32 to vector<16xi32>
        %lt3A_458 = arith.cmpi slt, %max3A_455, %lt3A_457 : vector<16xi32>
        %add3A_459 = arith.constant 16 : i32
        %add3A_460 = vector.broadcast %add3A_459 : i32 to vector<16xi32>
        %add3A_461 = arith.addi %max3A_455, %add3A_460 : vector<16xi32>
        %select_n3A_462 = arith.select %lt3A_458, %add3A_461, %max3A_455 : vector<16xi1>, vector<16xi32>
        %broadcast_in_dim3A_463 = vector.shape_cast %select_n3A_462 : vector<16xi32> to vector<16x1xi32>
        %gather3A_464 = vector.shape_cast %broadcast_in_dim3A_463 : vector<16x1xi32> to vector<16xi32>
        %gather3A_465 = tpu.dynamic_gather %add3A_370[%gather3A_464] in [0] : vector<16xi32>, vector<16xi32> -> vector<16xi32>
        %ge3A_466 = arith.cmpi sge, %gather3A_465, %add3A_20 : vector<16xi32>
        %and3A_467 = arith.andi %ge3A_452, %ge3A_466 : vector<16xi1>
        %select_n3A_468 = arith.select %and3A_467, %sub3A_449, %select_n3A_446 : vector<16xi1>, vector<16xi32>
        %lt3A_469 = arith.constant 0 : i32
        %lt3A_470 = vector.broadcast %lt3A_469 : i32 to vector<16xi32>
        %lt3A_471 = arith.cmpi slt, %select_n3A_468, %lt3A_470 : vector<16xi32>
        %add3A_472 = arith.constant 16 : i32
        %add3A_473 = vector.broadcast %add3A_472 : i32 to vector<16xi32>
        %add3A_474 = arith.addi %select_n3A_468, %add3A_473 : vector<16xi32>
        %select_n3A_475 = arith.select %lt3A_471, %add3A_474, %select_n3A_468 : vector<16xi1>, vector<16xi32>
        %broadcast_in_dim3A_476 = vector.shape_cast %select_n3A_475 : vector<16xi32> to vector<16x1xi32>
        %gather3A_477 = vector.shape_cast %broadcast_in_dim3A_476 : vector<16x1xi32> to vector<16xi32>
        %gather3A_478 = tpu.dynamic_gather %get3A_267[%gather3A_477] in [0] : vector<16xi32>, vector<16xi32> -> vector<16xi32>
        %lt3A_479 = arith.constant 0 : i32
        %lt3A_480 = vector.broadcast %lt3A_479 : i32 to vector<16xi32>
        %lt3A_481 = arith.cmpi slt, %select_n3A_468, %lt3A_480 : vector<16xi32>
        %add3A_482 = arith.constant 16 : i32
        %add3A_483 = vector.broadcast %add3A_482 : i32 to vector<16xi32>
        %add3A_484 = arith.addi %select_n3A_468, %add3A_483 : vector<16xi32>
        %select_n3A_485 = arith.select %lt3A_481, %add3A_484, %select_n3A_468 : vector<16xi1>, vector<16xi32>
        %broadcast_in_dim3A_486 = vector.shape_cast %select_n3A_485 : vector<16xi32> to vector<16x1xi32>
        %gather3A_487 = vector.shape_cast %broadcast_in_dim3A_486 : vector<16x1xi32> to vector<16xi32>
        %gather3A_488 = tpu.dynamic_gather %sub3A_268[%gather3A_487] in [0] : vector<16xi32>, vector<16xi32> -> vector<16xi32>
        %mul3A_489 = arith.constant 2 : i32
        %mul3A_490 = arith.muli %mul3A_489, %scan3A_248 : i32
        %add3A_491 = arith.constant 1 : i32
        %add3A_492 = arith.addi %mul3A_490, %add3A_491 : i32
        %mul3A_493 = arith.constant 16 : i32
        %mul3A_494 = arith.muli %add3A_492, %mul3A_493 : i32
        %get3A_495 = arith.index_cast %mul3A_494 : i32 to index
        %get3A_496 = tpu.vector_load %arg10[%get3A_495] {strides = array<i32>} : memref<20000xi32, #tpu.memory_space<vmem>>, vector<16xi32>,
        %get3A_497 = vector.shape_cast %get3A_496 : vector<16xi32> to vector<16xi32>
        %mul3A_498 = arith.constant 2 : i32
        %mul3A_499 = arith.muli %mul3A_498, %scan3A_248 : i32
        %add3A_500 = arith.constant 1 : i32
        %add3A_501 = arith.addi %mul3A_499, %add3A_500 : i32
        %mul3A_502 = arith.constant 16 : i32
        %mul3A_503 = arith.muli %add3A_501, %mul3A_502 : i32
        %get3A_504 = arith.index_cast %mul3A_503 : i32 to index
        %get3A_505 = tpu.vector_load %arg9[%get3A_504] {strides = array<i32>} : memref<20000xi32, #tpu.memory_space<vmem>>, vector<16xi32>,
        %get3A_506 = vector.shape_cast %get3A_505 : vector<16xi32> to vector<16xi32>
        %sub3A_507 = arith.subi %get3A_497, %scan3A_66 : vector<16xi32>
        %ge3A_508 = arith.constant 0 : i32
        %ge3A_509 = vector.broadcast %ge3A_508 : i32 to vector<16xi32>
        %ge3A_510 = arith.cmpi sge, %sub3A_507, %ge3A_509 : vector<16xi32>
        %lt3A_511 = arith.constant 1792 : i32
        %lt3A_512 = vector.broadcast %lt3A_511 : i32 to vector<16xi32>
        %lt3A_513 = arith.cmpi slt, %sub3A_507, %lt3A_512 : vector<16xi32>
        %and3A_514 = arith.andi %ge3A_510, %lt3A_513 : vector<16xi1>
        %jit3A_515 = arith.constant 1 : i32
        %jit3A_516 = arith.constant 0 : i32
        %broadcast_in_dim3A_517 = vector.broadcast %jit3A_515 : i32 to vector<16xi32>
        %broadcast_in_dim3A_518 = vector.broadcast %jit3A_516 : i32 to vector<16xi32>
        %select_n3A_519 = arith.select %and3A_514, %broadcast_in_dim3A_517, %broadcast_in_dim3A_518 : vector<16xi1>, vector<16xi32>
        %ge3A_520 = arith.constant 1 : i32
        %ge3A_521 = vector.broadcast %ge3A_520 : i32 to vector<16xi32>
        %ge3A_522 = arith.cmpi sge, %iota3A, %ge3A_521 : vector<16xi32>
        %sub3A_523 = arith.constant 1 : i32
        %sub3A_524 = vector.broadcast %sub3A_523 : i32 to vector<16xi32>
        %sub3A_525 = arith.subi %iota3A, %sub3A_524 : vector<16xi32>
        %max3A_526 = arith.constant 0 : i32
        %max3A_527 = vector.broadcast %max3A_526 : i32 to vector<16xi32>
        %max3A_528 = arith.maxsi %sub3A_525, %max3A_527 : vector<16xi32>
        %lt3A_529 = arith.constant 0 : i32
        %lt3A_530 = vector.broadcast %lt3A_529 : i32 to vector<16xi32>
        %lt3A_531 = arith.cmpi slt, %max3A_528, %lt3A_530 : vector<16xi32>
        %add3A_532 = arith.constant 16 : i32
        %add3A_533 = vector.broadcast %add3A_532 : i32 to vector<16xi32>
        %add3A_534 = arith.addi %max3A_528, %add3A_533 : vector<16xi32>
        %select_n3A_535 = arith.select %lt3A_531, %add3A_534, %max3A_528 : vector<16xi1>, vector<16xi32>
        %broadcast_in_dim3A_536 = vector.shape_cast %select_n3A_535 : vector<16xi32> to vector<16x1xi32>
        %gather3A_537 = vector.shape_cast %broadcast_in_dim3A_536 : vector<16x1xi32> to vector<16xi32>
        %gather3A_538 = tpu.dynamic_gather %select_n3A_519[%gather3A_537] in [0] : vector<16xi32>, vector<16xi32> -> vector<16xi32>
        %jit3A_539 = arith.constant 0 : i32
        %broadcast_in_dim3A_540 = vector.broadcast %jit3A_539 : i32 to vector<16xi32>
        %select_n3A_541 = arith.select %ge3A_522, %gather3A_538, %broadcast_in_dim3A_540 : vector<16xi1>, vector<16xi32>
        %add3A_542 = arith.addi %select_n3A_519, %select_n3A_541 : vector<16xi32>
        %ge3A_543 = arith.constant 2 : i32
        %ge3A_544 = vector.broadcast %ge3A_543 : i32 to vector<16xi32>
        %ge3A_545 = arith.cmpi sge, %iota3A, %ge3A_544 : vector<16xi32>
        %sub3A_546 = arith.constant 2 : i32
        %sub3A_547 = vector.broadcast %sub3A_546 : i32 to vector<16xi32>
        %sub3A_548 = arith.subi %iota3A, %sub3A_547 : vector<16xi32>
        %max3A_549 = arith.constant 0 : i32
        %max3A_550 = vector.broadcast %max3A_549 : i32 to vector<16xi32>
        %max3A_551 = arith.maxsi %sub3A_548, %max3A_550 : vector<16xi32>
        %lt3A_552 = arith.constant 0 : i32
        %lt3A_553 = vector.broadcast %lt3A_552 : i32 to vector<16xi32>
        %lt3A_554 = arith.cmpi slt, %max3A_551, %lt3A_553 : vector<16xi32>
        %add3A_555 = arith.constant 16 : i32
        %add3A_556 = vector.broadcast %add3A_555 : i32 to vector<16xi32>
        %add3A_557 = arith.addi %max3A_551, %add3A_556 : vector<16xi32>
        %select_n3A_558 = arith.select %lt3A_554, %add3A_557, %max3A_551 : vector<16xi1>, vector<16xi32>
        %broadcast_in_dim3A_559 = vector.shape_cast %select_n3A_558 : vector<16xi32> to vector<16x1xi32>
        %gather3A_560 = vector.shape_cast %broadcast_in_dim3A_559 : vector<16x1xi32> to vector<16xi32>
        %gather3A_561 = tpu.dynamic_gather %add3A_542[%gather3A_560] in [0] : vector<16xi32>, vector<16xi32> -> vector<16xi32>
        %jit3A_562 = arith.constant 0 : i32
        %broadcast_in_dim3A_563 = vector.broadcast %jit3A_562 : i32 to vector<16xi32>
        %select_n3A_564 = arith.select %ge3A_545, %gather3A_561, %broadcast_in_dim3A_563 : vector<16xi1>, vector<16xi32>
        %add3A_565 = arith.addi %add3A_542, %select_n3A_564 : vector<16xi32>
        %ge3A_566 = arith.constant 4 : i32
        %ge3A_567 = vector.broadcast %ge3A_566 : i32 to vector<16xi32>
        %ge3A_568 = arith.cmpi sge, %iota3A, %ge3A_567 : vector<16xi32>
        %sub3A_569 = arith.constant 4 : i32
        %sub3A_570 = vector.broadcast %sub3A_569 : i32 to vector<16xi32>
        %sub3A_571 = arith.subi %iota3A, %sub3A_570 : vector<16xi32>
        %max3A_572 = arith.constant 0 : i32
        %max3A_573 = vector.broadcast %max3A_572 : i32 to vector<16xi32>
        %max3A_574 = arith.maxsi %sub3A_571, %max3A_573 : vector<16xi32>
        %lt3A_575 = arith.constant 0 : i32
        %lt3A_576 = vector.broadcast %lt3A_575 : i32 to vector<16xi32>
        %lt3A_577 = arith.cmpi slt, %max3A_574, %lt3A_576 : vector<16xi32>
        %add3A_578 = arith.constant 16 : i32
        %add3A_579 = vector.broadcast %add3A_578 : i32 to vector<16xi32>
        %add3A_580 = arith.addi %max3A_574, %add3A_579 : vector<16xi32>
        %select_n3A_581 = arith.select %lt3A_577, %add3A_580, %max3A_574 : vector<16xi1>, vector<16xi32>
        %broadcast_in_dim3A_582 = vector.shape_cast %select_n3A_581 : vector<16xi32> to vector<16x1xi32>
        %gather3A_583 = vector.shape_cast %broadcast_in_dim3A_582 : vector<16x1xi32> to vector<16xi32>
        %gather3A_584 = tpu.dynamic_gather %add3A_565[%gather3A_583] in [0] : vector<16xi32>, vector<16xi32> -> vector<16xi32>
        %jit3A_585 = arith.constant 0 : i32
        %broadcast_in_dim3A_586 = vector.broadcast %jit3A_585 : i32 to vector<16xi32>
        %select_n3A_587 = arith.select %ge3A_568, %gather3A_584, %broadcast_in_dim3A_586 : vector<16xi1>, vector<16xi32>
        %add3A_588 = arith.addi %add3A_565, %select_n3A_587 : vector<16xi32>
        %ge3A_589 = arith.constant 8 : i32
        %ge3A_590 = vector.broadcast %ge3A_589 : i32 to vector<16xi32>
        %ge3A_591 = arith.cmpi sge, %iota3A, %ge3A_590 : vector<16xi32>
        %sub3A_592 = arith.constant 8 : i32
        %sub3A_593 = vector.broadcast %sub3A_592 : i32 to vector<16xi32>
        %sub3A_594 = arith.subi %iota3A, %sub3A_593 : vector<16xi32>
        %max3A_595 = arith.constant 0 : i32
        %max3A_596 = vector.broadcast %max3A_595 : i32 to vector<16xi32>
        %max3A_597 = arith.maxsi %sub3A_594, %max3A_596 : vector<16xi32>
        %lt3A_598 = arith.constant 0 : i32
        %lt3A_599 = vector.broadcast %lt3A_598 : i32 to vector<16xi32>
        %lt3A_600 = arith.cmpi slt, %max3A_597, %lt3A_599 : vector<16xi32>
        %add3A_601 = arith.constant 16 : i32
        %add3A_602 = vector.broadcast %add3A_601 : i32 to vector<16xi32>
        %add3A_603 = arith.addi %max3A_597, %add3A_602 : vector<16xi32>
        %select_n3A_604 = arith.select %lt3A_600, %add3A_603, %max3A_597 : vector<16xi1>, vector<16xi32>
        %broadcast_in_dim3A_605 = vector.shape_cast %select_n3A_604 : vector<16xi32> to vector<16x1xi32>
        %gather3A_606 = vector.shape_cast %broadcast_in_dim3A_605 : vector<16x1xi32> to vector<16xi32>
        %gather3A_607 = tpu.dynamic_gather %add3A_588[%gather3A_606] in [0] : vector<16xi32>, vector<16xi32> -> vector<16xi32>
        %jit3A_608 = arith.constant 0 : i32
        %broadcast_in_dim3A_609 = vector.broadcast %jit3A_608 : i32 to vector<16xi32>
        %select_n3A_610 = arith.select %ge3A_591, %gather3A_607, %broadcast_in_dim3A_609 : vector<16xi1>, vector<16xi32>
        %add3A_611 = arith.addi %add3A_588, %select_n3A_610 : vector<16xi32>
        %lt3A_612 = arith.constant 0 : i32
        %lt3A_613 = vector.broadcast %lt3A_612 : i32 to vector<16xi32>
        %lt3A_614 = arith.cmpi slt, %max3A_18, %lt3A_613 : vector<16xi32>
        %add3A_615 = arith.constant 16 : i32
        %add3A_616 = vector.broadcast %add3A_615 : i32 to vector<16xi32>
        %add3A_617 = arith.addi %max3A_18, %add3A_616 : vector<16xi32>
        %select_n3A_618 = arith.select %lt3A_614, %add3A_617, %max3A_18 : vector<16xi1>, vector<16xi32>
        %broadcast_in_dim3A_619 = vector.shape_cast %select_n3A_618 : vector<16xi32> to vector<16x1xi32>
        %gather3A_620 = vector.shape_cast %broadcast_in_dim3A_619 : vector<16x1xi32> to vector<16xi32>
        %gather3A_621 = tpu.dynamic_gather %add3A_611[%gather3A_620] in [0] : vector<16xi32>, vector<16xi32> -> vector<16xi32>
        %sub3A_622 = arith.constant 8 : i32
        %sub3A_623 = vector.broadcast %sub3A_622 : i32 to vector<16xi32>
        %sub3A_624 = arith.subi %max3A_18, %sub3A_623 : vector<16xi32>
        %ge3A_625 = arith.constant 0 : i32
        %ge3A_626 = vector.broadcast %ge3A_625 : i32 to vector<16xi32>
        %ge3A_627 = arith.cmpi sge, %sub3A_624, %ge3A_626 : vector<16xi32>
        %max3A_628 = arith.constant 0 : i32
        %max3A_629 = vector.broadcast %max3A_628 : i32 to vector<16xi32>
        %max3A_630 = arith.maxsi %sub3A_624, %max3A_629 : vector<16xi32>
        %lt3A_631 = arith.constant 0 : i32
        %lt3A_632 = vector.broadcast %lt3A_631 : i32 to vector<16xi32>
        %lt3A_633 = arith.cmpi slt, %max3A_630, %lt3A_632 : vector<16xi32>
        %add3A_634 = arith.constant 16 : i32
        %add3A_635 = vector.broadcast %add3A_634 : i32 to vector<16xi32>
        %add3A_636 = arith.addi %max3A_630, %add3A_635 : vector<16xi32>
        %select_n3A_637 = arith.select %lt3A_633, %add3A_636, %max3A_630 : vector<16xi1>, vector<16xi32>
        %broadcast_in_dim3A_638 = vector.shape_cast %select_n3A_637 : vector<16xi32> to vector<16x1xi32>
        %gather3A_639 = vector.shape_cast %broadcast_in_dim3A_638 : vector<16x1xi32> to vector<16xi32>
        %gather3A_640 = tpu.dynamic_gather %add3A_611[%gather3A_639] in [0] : vector<16xi32>, vector<16xi32> -> vector<16xi32>
        %ge3A_641 = arith.cmpi sge, %gather3A_640, %add3A_20 : vector<16xi32>
        %and3A_642 = arith.andi %ge3A_627, %ge3A_641 : vector<16xi1>
        %select_n3A_643 = arith.select %and3A_642, %sub3A_624, %max3A_18 : vector<16xi1>, vector<16xi32>
        %sub3A_644 = arith.constant 4 : i32
        %sub3A_645 = vector.broadcast %sub3A_644 : i32 to vector<16xi32>
        %sub3A_646 = arith.subi %select_n3A_643, %sub3A_645 : vector<16xi32>
        %ge3A_647 = arith.constant 0 : i32
        %ge3A_648 = vector.broadcast %ge3A_647 : i32 to vector<16xi32>
        %ge3A_649 = arith.cmpi sge, %sub3A_646, %ge3A_648 : vector<16xi32>
        %max3A_650 = arith.constant 0 : i32
        %max3A_651 = vector.broadcast %max3A_650 : i32 to vector<16xi32>
        %max3A_652 = arith.maxsi %sub3A_646, %max3A_651 : vector<16xi32>
        %lt3A_653 = arith.constant 0 : i32
        %lt3A_654 = vector.broadcast %lt3A_653 : i32 to vector<16xi32>
        %lt3A_655 = arith.cmpi slt, %max3A_652, %lt3A_654 : vector<16xi32>
        %add3A_656 = arith.constant 16 : i32
        %add3A_657 = vector.broadcast %add3A_656 : i32 to vector<16xi32>
        %add3A_658 = arith.addi %max3A_652, %add3A_657 : vector<16xi32>
        %select_n3A_659 = arith.select %lt3A_655, %add3A_658, %max3A_652 : vector<16xi1>, vector<16xi32>
        %broadcast_in_dim3A_660 = vector.shape_cast %select_n3A_659 : vector<16xi32> to vector<16x1xi32>
        %gather3A_661 = vector.shape_cast %broadcast_in_dim3A_660 : vector<16x1xi32> to vector<16xi32>
        %gather3A_662 = tpu.dynamic_gather %add3A_611[%gather3A_661] in [0] : vector<16xi32>, vector<16xi32> -> vector<16xi32>
        %ge3A_663 = arith.cmpi sge, %gather3A_662, %add3A_20 : vector<16xi32>
        %and3A_664 = arith.andi %ge3A_649, %ge3A_663 : vector<16xi1>
        %select_n3A_665 = arith.select %and3A_664, %sub3A_646, %select_n3A_643 : vector<16xi1>, vector<16xi32>
        %sub3A_666 = arith.constant 2 : i32
        %sub3A_667 = vector.broadcast %sub3A_666 : i32 to vector<16xi32>
        %sub3A_668 = arith.subi %select_n3A_665, %sub3A_667 : vector<16xi32>
        %ge3A_669 = arith.constant 0 : i32
        %ge3A_670 = vector.broadcast %ge3A_669 : i32 to vector<16xi32>
        %ge3A_671 = arith.cmpi sge, %sub3A_668, %ge3A_670 : vector<16xi32>
        %max3A_672 = arith.constant 0 : i32
        %max3A_673 = vector.broadcast %max3A_672 : i32 to vector<16xi32>
        %max3A_674 = arith.maxsi %sub3A_668, %max3A_673 : vector<16xi32>
        %lt3A_675 = arith.constant 0 : i32
        %lt3A_676 = vector.broadcast %lt3A_675 : i32 to vector<16xi32>
        %lt3A_677 = arith.cmpi slt, %max3A_674, %lt3A_676 : vector<16xi32>
        %add3A_678 = arith.constant 16 : i32
        %add3A_679 = vector.broadcast %add3A_678 : i32 to vector<16xi32>
        %add3A_680 = arith.addi %max3A_674, %add3A_679 : vector<16xi32>
        %select_n3A_681 = arith.select %lt3A_677, %add3A_680, %max3A_674 : vector<16xi1>, vector<16xi32>
        %broadcast_in_dim3A_682 = vector.shape_cast %select_n3A_681 : vector<16xi32> to vector<16x1xi32>
        %gather3A_683 = vector.shape_cast %broadcast_in_dim3A_682 : vector<16x1xi32> to vector<16xi32>
        %gather3A_684 = tpu.dynamic_gather %add3A_611[%gather3A_683] in [0] : vector<16xi32>, vector<16xi32> -> vector<16xi32>
        %ge3A_685 = arith.cmpi sge, %gather3A_684, %add3A_20 : vector<16xi32>
        %and3A_686 = arith.andi %ge3A_671, %ge3A_685 : vector<16xi1>
        %select_n3A_687 = arith.select %and3A_686, %sub3A_668, %select_n3A_665 : vector<16xi1>, vector<16xi32>
        %sub3A_688 = arith.constant 1 : i32
        %sub3A_689 = vector.broadcast %sub3A_688 : i32 to vector<16xi32>
        %sub3A_690 = arith.subi %select_n3A_687, %sub3A_689 : vector<16xi32>
        %ge3A_691 = arith.constant 0 : i32
        %ge3A_692 = vector.broadcast %ge3A_691 : i32 to vector<16xi32>
        %ge3A_693 = arith.cmpi sge, %sub3A_690, %ge3A_692 : vector<16xi32>
        %max3A_694 = arith.constant 0 : i32
        %max3A_695 = vector.broadcast %max3A_694 : i32 to vector<16xi32>
        %max3A_696 = arith.maxsi %sub3A_690, %max3A_695 : vector<16xi32>
        %lt3A_697 = arith.constant 0 : i32
        %lt3A_698 = vector.broadcast %lt3A_697 : i32 to vector<16xi32>
        %lt3A_699 = arith.cmpi slt, %max3A_696, %lt3A_698 : vector<16xi32>
        %add3A_700 = arith.constant 16 : i32
        %add3A_701 = vector.broadcast %add3A_700 : i32 to vector<16xi32>
        %add3A_702 = arith.addi %max3A_696, %add3A_701 : vector<16xi32>
        %select_n3A_703 = arith.select %lt3A_699, %add3A_702, %max3A_696 : vector<16xi1>, vector<16xi32>
        %broadcast_in_dim3A_704 = vector.shape_cast %select_n3A_703 : vector<16xi32> to vector<16x1xi32>
        %gather3A_705 = vector.shape_cast %broadcast_in_dim3A_704 : vector<16x1xi32> to vector<16xi32>
        %gather3A_706 = tpu.dynamic_gather %add3A_611[%gather3A_705] in [0] : vector<16xi32>, vector<16xi32> -> vector<16xi32>
        %ge3A_707 = arith.cmpi sge, %gather3A_706, %add3A_20 : vector<16xi32>
        %and3A_708 = arith.andi %ge3A_693, %ge3A_707 : vector<16xi1>
        %select_n3A_709 = arith.select %and3A_708, %sub3A_690, %select_n3A_687 : vector<16xi1>, vector<16xi32>
        %lt3A_710 = arith.constant 0 : i32
        %lt3A_711 = vector.broadcast %lt3A_710 : i32 to vector<16xi32>
        %lt3A_712 = arith.cmpi slt, %select_n3A_709, %lt3A_711 : vector<16xi32>
        %add3A_713 = arith.constant 16 : i32
        %add3A_714 = vector.broadcast %add3A_713 : i32 to vector<16xi32>
        %add3A_715 = arith.addi %select_n3A_709, %add3A_714 : vector<16xi32>
        %select_n3A_716 = arith.select %lt3A_712, %add3A_715, %select_n3A_709 : vector<16xi1>, vector<16xi32>
        %broadcast_in_dim3A_717 = vector.shape_cast %select_n3A_716 : vector<16xi32> to vector<16x1xi32>
        %gather3A_718 = vector.shape_cast %broadcast_in_dim3A_717 : vector<16x1xi32> to vector<16xi32>
        %gather3A_719 = tpu.dynamic_gather %get3A_506[%gather3A_718] in [0] : vector<16xi32>, vector<16xi32> -> vector<16xi32>
        %lt3A_720 = arith.constant 0 : i32
        %lt3A_721 = vector.broadcast %lt3A_720 : i32 to vector<16xi32>
        %lt3A_722 = arith.cmpi slt, %select_n3A_709, %lt3A_721 : vector<16xi32>
        %add3A_723 = arith.constant 16 : i32
        %add3A_724 = vector.broadcast %add3A_723 : i32 to vector<16xi32>
        %add3A_725 = arith.addi %select_n3A_709, %add3A_724 : vector<16xi32>
        %select_n3A_726 = arith.select %lt3A_722, %add3A_725, %select_n3A_709 : vector<16xi1>, vector<16xi32>
        %broadcast_in_dim3A_727 = vector.shape_cast %select_n3A_726 : vector<16xi32> to vector<16x1xi32>
        %gather3A_728 = vector.shape_cast %broadcast_in_dim3A_727 : vector<16x1xi32> to vector<16xi32>
        %gather3A_729 = tpu.dynamic_gather %sub3A_507[%gather3A_728] in [0] : vector<16xi32>, vector<16xi32> -> vector<16xi32>
        %sub3A_730 = arith.subi %iota3A, %gather3A_380 : vector<16xi32>
        %max3A_731 = arith.constant 0 : i32
        %max3A_732 = vector.broadcast %max3A_731 : i32 to vector<16xi32>
        %max3A_733 = arith.maxsi %sub3A_730, %max3A_732 : vector<16xi32>
        %add3A_734 = arith.constant 16 : i32
        %add3A_735 = vector.broadcast %add3A_734 : i32 to vector<16xi32>
        %add3A_736 = arith.addi %sub3A_730, %add3A_735 : vector<16xi32>
        %min3A_737 = arith.minsi %add3A_736, %max3A_18 : vector<16xi32>
        %lt3A_738 = arith.constant 0 : i32
        %lt3A_739 = vector.broadcast %lt3A_738 : i32 to vector<16xi32>
        %lt3A_740 = arith.cmpi slt, %sub3A_730, %lt3A_739 : vector<16xi32>
        %lt3A_741 = arith.constant 0 : i32
        %lt3A_742 = vector.broadcast %lt3A_741 : i32 to vector<16xi32>
        %lt3A_743 = arith.cmpi slt, %max3A_733, %lt3A_742 : vector<16xi32>
        %add3A_744 = arith.constant 16 : i32
        %add3A_745 = vector.broadcast %add3A_744 : i32 to vector<16xi32>
        %add3A_746 = arith.addi %max3A_733, %add3A_745 : vector<16xi32>
        %select_n3A_747 = arith.select %lt3A_743, %add3A_746, %max3A_733 : vector<16xi1>, vector<16xi32>
        %broadcast_in_dim3A_748 = vector.shape_cast %select_n3A_747 : vector<16xi32> to vector<16x1xi32>
        %gather3A_749 = vector.shape_cast %broadcast_in_dim3A_748 : vector<16x1xi32> to vector<16xi32>
        %gather3A_750 = tpu.dynamic_gather %gather3A_719[%gather3A_749] in [0] : vector<16xi32>, vector<16xi32> -> vector<16xi32>
        %select_n3A_751 = arith.select %lt3A_740, %gather3A_478, %gather3A_750 : vector<16xi1>, vector<16xi32>
        %swap3A_752 = arith.index_cast %scan3A_249 : i32 to index
        %swap3A_753 = tpu.vector_load %arg11[%swap3A_752] {strides = array<i32>} : memref<20256xi32, #tpu.memory_space<vmem>>, vector<16xi32>,
        %swap3A_754 = vector.shape_cast %swap3A_753 : vector<16xi32> to vector<16xi32>
        %swap3A_755 = vector.shape_cast %select_n3A_751 : vector<16xi32> to vector<16xi32>
        tpu.vector_store %arg11[%swap3A_752], %swap3A_755 {strides = array<i32>} : memref<20256xi32, #tpu.memory_space<vmem>>, vector<16xi32>,
        %lt3A_756 = arith.constant 0 : i32
        %lt3A_757 = vector.broadcast %lt3A_756 : i32 to vector<16xi32>
        %lt3A_758 = arith.cmpi slt, %sub3A_730, %lt3A_757 : vector<16xi32>
        %lt3A_759 = arith.constant 0 : i32
        %lt3A_760 = vector.broadcast %lt3A_759 : i32 to vector<16xi32>
        %lt3A_761 = arith.cmpi slt, %max3A_733, %lt3A_760 : vector<16xi32>
        %add3A_762 = arith.constant 16 : i32
        %add3A_763 = vector.broadcast %add3A_762 : i32 to vector<16xi32>
        %add3A_764 = arith.addi %max3A_733, %add3A_763 : vector<16xi32>
        %select_n3A_765 = arith.select %lt3A_761, %add3A_764, %max3A_733 : vector<16xi1>, vector<16xi32>
        %broadcast_in_dim3A_766 = vector.shape_cast %select_n3A_765 : vector<16xi32> to vector<16x1xi32>
        %gather3A_767 = vector.shape_cast %broadcast_in_dim3A_766 : vector<16x1xi32> to vector<16xi32>
        %gather3A_768 = tpu.dynamic_gather %gather3A_729[%gather3A_767] in [0] : vector<16xi32>, vector<16xi32> -> vector<16xi32>
        %select_n3A_769 = arith.select %lt3A_758, %gather3A_488, %gather3A_768 : vector<16xi1>, vector<16xi32>
        %swap3A_770 = arith.index_cast %scan3A_249 : i32 to index
        %swap3A_771 = tpu.vector_load %arg12[%swap3A_770] {strides = array<i32>} : memref<20256xi32, #tpu.memory_space<vmem>>, vector<16xi32>,
        %swap3A_772 = vector.shape_cast %swap3A_771 : vector<16xi32> to vector<16xi32>
        %swap3A_773 = vector.shape_cast %select_n3A_769 : vector<16xi32> to vector<16xi32>
        tpu.vector_store %arg12[%swap3A_770], %swap3A_773 {strides = array<i32>} : memref<20256xi32, #tpu.memory_space<vmem>>, vector<16xi32>,
        %lt3A_774 = arith.constant 0 : i32
        %lt3A_775 = vector.broadcast %lt3A_774 : i32 to vector<16xi32>
        %lt3A_776 = arith.cmpi slt, %min3A_737, %lt3A_775 : vector<16xi32>
        %add3A_777 = arith.constant 16 : i32
        %add3A_778 = vector.broadcast %add3A_777 : i32 to vector<16xi32>
        %add3A_779 = arith.addi %min3A_737, %add3A_778 : vector<16xi32>
        %select_n3A_780 = arith.select %lt3A_776, %add3A_779, %min3A_737 : vector<16xi1>, vector<16xi32>
        %broadcast_in_dim3A_781 = vector.shape_cast %select_n3A_780 : vector<16xi32> to vector<16x1xi32>
        %gather3A_782 = vector.shape_cast %broadcast_in_dim3A_781 : vector<16x1xi32> to vector<16xi32>
        %gather3A_783 = tpu.dynamic_gather %gather3A_719[%gather3A_782] in [0] : vector<16xi32>, vector<16xi32> -> vector<16xi32>
        %add3A_784 = arith.constant 16 : i32
        %add3A_785 = arith.addi %scan3A_249, %add3A_784 : i32
        %swap3A_786 = arith.index_cast %add3A_785 : i32 to index
        %swap3A_787 = tpu.vector_load %arg11[%swap3A_786] {strides = array<i32>} : memref<20256xi32, #tpu.memory_space<vmem>>, vector<16xi32>,
        %swap3A_788 = vector.shape_cast %swap3A_787 : vector<16xi32> to vector<16xi32>
        %swap3A_789 = vector.shape_cast %gather3A_783 : vector<16xi32> to vector<16xi32>
        tpu.vector_store %arg11[%swap3A_786], %swap3A_789 {strides = array<i32>} : memref<20256xi32, #tpu.memory_space<vmem>>, vector<16xi32>,
        %lt3A_790 = arith.constant 0 : i32
        %lt3A_791 = vector.broadcast %lt3A_790 : i32 to vector<16xi32>
        %lt3A_792 = arith.cmpi slt, %min3A_737, %lt3A_791 : vector<16xi32>
        %add3A_793 = arith.constant 16 : i32
        %add3A_794 = vector.broadcast %add3A_793 : i32 to vector<16xi32>
        %add3A_795 = arith.addi %min3A_737, %add3A_794 : vector<16xi32>
        %select_n3A_796 = arith.select %lt3A_792, %add3A_795, %min3A_737 : vector<16xi1>, vector<16xi32>
        %broadcast_in_dim3A_797 = vector.shape_cast %select_n3A_796 : vector<16xi32> to vector<16x1xi32>
        %gather3A_798 = vector.shape_cast %broadcast_in_dim3A_797 : vector<16x1xi32> to vector<16xi32>
        %gather3A_799 = tpu.dynamic_gather %gather3A_729[%gather3A_798] in [0] : vector<16xi32>, vector<16xi32> -> vector<16xi32>
        %add3A_800 = arith.constant 16 : i32
        %add3A_801 = arith.addi %scan3A_249, %add3A_800 : i32
        %swap3A_802 = arith.index_cast %add3A_801 : i32 to index
        %swap3A_803 = tpu.vector_load %arg12[%swap3A_802] {strides = array<i32>} : memref<20256xi32, #tpu.memory_space<vmem>>, vector<16xi32>,
        %swap3A_804 = vector.shape_cast %swap3A_803 : vector<16xi32> to vector<16xi32>
        %swap3A_805 = vector.shape_cast %gather3A_799 : vector<16xi32> to vector<16xi32>
        tpu.vector_store %arg12[%swap3A_802], %swap3A_805 {strides = array<i32>} : memref<20256xi32, #tpu.memory_space<vmem>>, vector<16xi32>,
        %slice3A = vector.extract_strided_slice %gather3A_380 {offsets = [0], sizes = [1], strides = [1]} : vector<16xi32> to vector<1xi32>
        %squeeze3A = vector.extract %slice3A[0] : i32 from vector<1xi32>
        %add3A_806 = arith.addi %scan3A_249, %squeeze3A : i32
        %slice3A_807 = vector.extract_strided_slice %gather3A_621 {offsets = [0], sizes = [1], strides = [1]} : vector<16xi32> to vector<1xi32>
        %squeeze3A_808 = vector.extract %slice3A_807[0] : i32 from vector<1xi32>
        %add3A_809 = arith.addi %add3A_806, %squeeze3A_808 : i32
        scf.yield %add3A_809 : i32
      }
      %scan3A_82 = arith.constant 625 : i32
      %add3A_83 = arith.constant 0 : i32
      %add3A_84 = arith.addi %scan3A_81, %add3A_83 : i32
      %swap3A_85 = arith.index_cast %add3A_84 : i32 to index
      %swap3A_86 = tpu.vector_load %arg11[%swap3A_85] {strides = array<i32>} : memref<20256xi32, #tpu.memory_space<vmem>>, vector<16xi32>,
      %swap3A_87 = vector.shape_cast %swap3A_86 : vector<16xi32> to vector<16xi32>
      %swap3A_88 = vector.shape_cast %min3A_4 : vector<16xi32> to vector<16xi32>
      tpu.vector_store %arg11[%swap3A_85], %swap3A_88 {strides = array<i32>} : memref<20256xi32, #tpu.memory_space<vmem>>, vector<16xi32>,
      %add3A_89 = arith.constant 1792 : i32
      %add3A_90 = vector.broadcast %add3A_89 : i32 to vector<16xi32>
      %add3A_91 = arith.addi %min3A_4, %add3A_90 : vector<16xi32>
      %add3A_92 = arith.constant 0 : i32
      %add3A_93 = arith.addi %scan3A_81, %add3A_92 : i32
      %swap3A_94 = arith.index_cast %add3A_93 : i32 to index
      %swap3A_95 = tpu.vector_load %arg12[%swap3A_94] {strides = array<i32>} : memref<20256xi32, #tpu.memory_space<vmem>>, vector<16xi32>,
      %swap3A_96 = vector.shape_cast %swap3A_95 : vector<16xi32> to vector<16xi32>
      %swap3A_97 = vector.shape_cast %add3A_91 : vector<16xi32> to vector<16xi32>
      tpu.vector_store %arg12[%swap3A_94], %swap3A_97 {strides = array<i32>} : memref<20256xi32, #tpu.memory_space<vmem>>, vector<16xi32>,
      %add3A_98 = arith.constant 16 : i32
      %add3A_99 = arith.addi %scan3A_81, %add3A_98 : i32
      %swap3A_100 = arith.index_cast %add3A_99 : i32 to index
      %swap3A_101 = tpu.vector_load %arg11[%swap3A_100] {strides = array<i32>} : memref<20256xi32, #tpu.memory_space<vmem>>, vector<16xi32>,
      %swap3A_102 = vector.shape_cast %swap3A_101 : vector<16xi32> to vector<16xi32>
      %swap3A_103 = vector.shape_cast %min3A_4 : vector<16xi32> to vector<16xi32>
      tpu.vector_store %arg11[%swap3A_100], %swap3A_103 {strides = array<i32>} : memref<20256xi32, #tpu.memory_space<vmem>>, vector<16xi32>,
      %add3A_104 = arith.constant 1792 : i32
      %add3A_105 = vector.broadcast %add3A_104 : i32 to vector<16xi32>
      %add3A_106 = arith.addi %min3A_4, %add3A_105 : vector<16xi32>
      %add3A_107 = arith.constant 16 : i32
      %add3A_108 = arith.addi %scan3A_81, %add3A_107 : i32
      %swap3A_109 = arith.index_cast %add3A_108 : i32 to index
      %swap3A_110 = tpu.vector_load %arg12[%swap3A_109] {strides = array<i32>} : memref<20256xi32, #tpu.memory_space<vmem>>, vector<16xi32>,
      %swap3A_111 = vector.shape_cast %swap3A_110 : vector<16xi32> to vector<16xi32>
      %swap3A_112 = vector.shape_cast %add3A_106 : vector<16xi32> to vector<16xi32>
      tpu.vector_store %arg12[%swap3A_109], %swap3A_112 {strides = array<i32>} : memref<20256xi32, #tpu.memory_space<vmem>>, vector<16xi32>,
      %add3A_113 = arith.constant 32 : i32
      %add3A_114 = arith.addi %scan3A_81, %add3A_113 : i32
      %swap3A_115 = arith.index_cast %add3A_114 : i32 to index
      %swap3A_116 = tpu.vector_load %arg11[%swap3A_115] {strides = array<i32>} : memref<20256xi32, #tpu.memory_space<vmem>>, vector<16xi32>,
      %swap3A_117 = vector.shape_cast %swap3A_116 : vector<16xi32> to vector<16xi32>
      %swap3A_118 = vector.shape_cast %min3A_4 : vector<16xi32> to vector<16xi32>
      tpu.vector_store %arg11[%swap3A_115], %swap3A_118 {strides = array<i32>} : memref<20256xi32, #tpu.memory_space<vmem>>, vector<16xi32>,
      %add3A_119 = arith.constant 1792 : i32
      %add3A_120 = vector.broadcast %add3A_119 : i32 to vector<16xi32>
      %add3A_121 = arith.addi %min3A_4, %add3A_120 : vector<16xi32>
      %add3A_122 = arith.constant 32 : i32
      %add3A_123 = arith.addi %scan3A_81, %add3A_122 : i32
      %swap3A_124 = arith.index_cast %add3A_123 : i32 to index
      %swap3A_125 = tpu.vector_load %arg12[%swap3A_124] {strides = array<i32>} : memref<20256xi32, #tpu.memory_space<vmem>>, vector<16xi32>,
      %swap3A_126 = vector.shape_cast %swap3A_125 : vector<16xi32> to vector<16xi32>
      %swap3A_127 = vector.shape_cast %add3A_121 : vector<16xi32> to vector<16xi32>
      tpu.vector_store %arg12[%swap3A_124], %swap3A_127 {strides = array<i32>} : memref<20256xi32, #tpu.memory_space<vmem>>, vector<16xi32>,
      %add3A_128 = arith.constant 48 : i32
      %add3A_129 = arith.addi %scan3A_81, %add3A_128 : i32
      %swap3A_130 = arith.index_cast %add3A_129 : i32 to index
      %swap3A_131 = tpu.vector_load %arg11[%swap3A_130] {strides = array<i32>} : memref<20256xi32, #tpu.memory_space<vmem>>, vector<16xi32>,
      %swap3A_132 = vector.shape_cast %swap3A_131 : vector<16xi32> to vector<16xi32>
      %swap3A_133 = vector.shape_cast %min3A_4 : vector<16xi32> to vector<16xi32>
      tpu.vector_store %arg11[%swap3A_130], %swap3A_133 {strides = array<i32>} : memref<20256xi32, #tpu.memory_space<vmem>>, vector<16xi32>,
      %add3A_134 = arith.constant 1792 : i32
      %add3A_135 = vector.broadcast %add3A_134 : i32 to vector<16xi32>
      %add3A_136 = arith.addi %min3A_4, %add3A_135 : vector<16xi32>
      %add3A_137 = arith.constant 48 : i32
      %add3A_138 = arith.addi %scan3A_81, %add3A_137 : i32
      %swap3A_139 = arith.index_cast %add3A_138 : i32 to index
      %swap3A_140 = tpu.vector_load %arg12[%swap3A_139] {strides = array<i32>} : memref<20256xi32, #tpu.memory_space<vmem>>, vector<16xi32>,
      %swap3A_141 = vector.shape_cast %swap3A_140 : vector<16xi32> to vector<16xi32>
      %swap3A_142 = vector.shape_cast %add3A_136 : vector<16xi32> to vector<16xi32>
      tpu.vector_store %arg12[%swap3A_139], %swap3A_142 {strides = array<i32>} : memref<20256xi32, #tpu.memory_space<vmem>>, vector<16xi32>,
      %add3A_143 = arith.constant 64 : i32
      %add3A_144 = arith.addi %scan3A_81, %add3A_143 : i32
      %swap3A_145 = arith.index_cast %add3A_144 : i32 to index
      %swap3A_146 = tpu.vector_load %arg11[%swap3A_145] {strides = array<i32>} : memref<20256xi32, #tpu.memory_space<vmem>>, vector<16xi32>,
      %swap3A_147 = vector.shape_cast %swap3A_146 : vector<16xi32> to vector<16xi32>
      %swap3A_148 = vector.shape_cast %min3A_4 : vector<16xi32> to vector<16xi32>
      tpu.vector_store %arg11[%swap3A_145], %swap3A_148 {strides = array<i32>} : memref<20256xi32, #tpu.memory_space<vmem>>, vector<16xi32>,
      %add3A_149 = arith.constant 1792 : i32
      %add3A_150 = vector.broadcast %add3A_149 : i32 to vector<16xi32>
      %add3A_151 = arith.addi %min3A_4, %add3A_150 : vector<16xi32>
      %add3A_152 = arith.constant 64 : i32
      %add3A_153 = arith.addi %scan3A_81, %add3A_152 : i32
      %swap3A_154 = arith.index_cast %add3A_153 : i32 to index
      %swap3A_155 = tpu.vector_load %arg12[%swap3A_154] {strides = array<i32>} : memref<20256xi32, #tpu.memory_space<vmem>>, vector<16xi32>,
      %swap3A_156 = vector.shape_cast %swap3A_155 : vector<16xi32> to vector<16xi32>
      %swap3A_157 = vector.shape_cast %add3A_151 : vector<16xi32> to vector<16xi32>
      tpu.vector_store %arg12[%swap3A_154], %swap3A_157 {strides = array<i32>} : memref<20256xi32, #tpu.memory_space<vmem>>, vector<16xi32>,
      %add3A_158 = arith.constant 80 : i32
      %add3A_159 = arith.addi %scan3A_81, %add3A_158 : i32
      %swap3A_160 = arith.index_cast %add3A_159 : i32 to index
      %swap3A_161 = tpu.vector_load %arg11[%swap3A_160] {strides = array<i32>} : memref<20256xi32, #tpu.memory_space<vmem>>, vector<16xi32>,
      %swap3A_162 = vector.shape_cast %swap3A_161 : vector<16xi32> to vector<16xi32>
      %swap3A_163 = vector.shape_cast %min3A_4 : vector<16xi32> to vector<16xi32>
      tpu.vector_store %arg11[%swap3A_160], %swap3A_163 {strides = array<i32>} : memref<20256xi32, #tpu.memory_space<vmem>>, vector<16xi32>,
      %add3A_164 = arith.constant 1792 : i32
      %add3A_165 = vector.broadcast %add3A_164 : i32 to vector<16xi32>
      %add3A_166 = arith.addi %min3A_4, %add3A_165 : vector<16xi32>
      %add3A_167 = arith.constant 80 : i32
      %add3A_168 = arith.addi %scan3A_81, %add3A_167 : i32
      %swap3A_169 = arith.index_cast %add3A_168 : i32 to index
      %swap3A_170 = tpu.vector_load %arg12[%swap3A_169] {strides = array<i32>} : memref<20256xi32, #tpu.memory_space<vmem>>, vector<16xi32>,
      %swap3A_171 = vector.shape_cast %swap3A_170 : vector<16xi32> to vector<16xi32>
      %swap3A_172 = vector.shape_cast %add3A_166 : vector<16xi32> to vector<16xi32>
      tpu.vector_store %arg12[%swap3A_169], %swap3A_172 {strides = array<i32>} : memref<20256xi32, #tpu.memory_space<vmem>>, vector<16xi32>,
      %add3A_173 = arith.constant 96 : i32
      %add3A_174 = arith.addi %scan3A_81, %add3A_173 : i32
      %swap3A_175 = arith.index_cast %add3A_174 : i32 to index
      %swap3A_176 = tpu.vector_load %arg11[%swap3A_175] {strides = array<i32>} : memref<20256xi32, #tpu.memory_space<vmem>>, vector<16xi32>,
      %swap3A_177 = vector.shape_cast %swap3A_176 : vector<16xi32> to vector<16xi32>
      %swap3A_178 = vector.shape_cast %min3A_4 : vector<16xi32> to vector<16xi32>
      tpu.vector_store %arg11[%swap3A_175], %swap3A_178 {strides = array<i32>} : memref<20256xi32, #tpu.memory_space<vmem>>, vector<16xi32>,
      %add3A_179 = arith.constant 1792 : i32
      %add3A_180 = vector.broadcast %add3A_179 : i32 to vector<16xi32>
      %add3A_181 = arith.addi %min3A_4, %add3A_180 : vector<16xi32>
      %add3A_182 = arith.constant 96 : i32
      %add3A_183 = arith.addi %scan3A_81, %add3A_182 : i32
      %swap3A_184 = arith.index_cast %add3A_183 : i32 to index
      %swap3A_185 = tpu.vector_load %arg12[%swap3A_184] {strides = array<i32>} : memref<20256xi32, #tpu.memory_space<vmem>>, vector<16xi32>,
      %swap3A_186 = vector.shape_cast %swap3A_185 : vector<16xi32> to vector<16xi32>
      %swap3A_187 = vector.shape_cast %add3A_181 : vector<16xi32> to vector<16xi32>
      tpu.vector_store %arg12[%swap3A_184], %swap3A_187 {strides = array<i32>} : memref<20256xi32, #tpu.memory_space<vmem>>, vector<16xi32>,
      %add3A_188 = arith.constant 112 : i32
      %add3A_189 = arith.addi %scan3A_81, %add3A_188 : i32
      %swap3A_190 = arith.index_cast %add3A_189 : i32 to index
      %swap3A_191 = tpu.vector_load %arg11[%swap3A_190] {strides = array<i32>} : memref<20256xi32, #tpu.memory_space<vmem>>, vector<16xi32>,
      %swap3A_192 = vector.shape_cast %swap3A_191 : vector<16xi32> to vector<16xi32>
      %swap3A_193 = vector.shape_cast %min3A_4 : vector<16xi32> to vector<16xi32>
      tpu.vector_store %arg11[%swap3A_190], %swap3A_193 {strides = array<i32>} : memref<20256xi32, #tpu.memory_space<vmem>>, vector<16xi32>,
      %add3A_194 = arith.constant 1792 : i32
      %add3A_195 = vector.broadcast %add3A_194 : i32 to vector<16xi32>
      %add3A_196 = arith.addi %min3A_4, %add3A_195 : vector<16xi32>
      %add3A_197 = arith.constant 112 : i32
      %add3A_198 = arith.addi %scan3A_81, %add3A_197 : i32
      %swap3A_199 = arith.index_cast %add3A_198 : i32 to index
      %swap3A_200 = tpu.vector_load %arg12[%swap3A_199] {strides = array<i32>} : memref<20256xi32, #tpu.memory_space<vmem>>, vector<16xi32>,
      %swap3A_201 = vector.shape_cast %swap3A_200 : vector<16xi32> to vector<16xi32>
      %swap3A_202 = vector.shape_cast %add3A_196 : vector<16xi32> to vector<16xi32>
      tpu.vector_store %arg12[%swap3A_199], %swap3A_202 {strides = array<i32>} : memref<20256xi32, #tpu.memory_space<vmem>>, vector<16xi32>,
      %add3A_203 = arith.constant 128 : i32
      %add3A_204 = arith.addi %scan3A_81, %add3A_203 : i32
      %sub3A = arith.constant 1 : i32
      %sub3A_205 = arith.subi %add3A_204, %sub3A : i32
      %jit3A_206 = arith.constant 128 : i32
      %div3A = arith.divsi %sub3A_205, %jit3A_206 : i32
      %sign3A = arith.constant 0 : i32
      %sign3A_207 = arith.cmpi sgt, %sub3A_205, %sign3A : i32
      %sign3A_208 = arith.extui %sign3A_207 : i1 to i32
      %sign3A_209 = arith.constant 0 : i32
      %sign3A_210 = arith.cmpi slt, %sub3A_205, %sign3A_209 : i32
      %sign3A_211 = arith.extui %sign3A_210 : i1 to i32
      %sign3A_212 = arith.subi %sign3A_208, %sign3A_211 : i32
      %sign3A_213 = arith.constant 0 : i32
      %sign3A_214 = arith.cmpi sgt, %jit3A_206, %sign3A_213 : i32
      %sign3A_215 = arith.extui %sign3A_214 : i1 to i32
      %sign3A_216 = arith.constant 0 : i32
      %sign3A_217 = arith.cmpi slt, %jit3A_206, %sign3A_216 : i32
      %sign3A_218 = arith.extui %sign3A_217 : i1 to i32
      %sign3A_219 = arith.subi %sign3A_215, %sign3A_218 : i32
      %ne3A = arith.cmpi ne, %sign3A_212, %sign3A_219 : i32
      %rem3A = arith.remsi %sub3A_205, %jit3A_206 : i32
      %ne3A_220 = arith.constant 0 : i32
      %ne3A_221 = arith.cmpi ne, %rem3A, %ne3A_220 : i32
      %and3A = arith.andi %ne3A, %ne3A_221 : i1
      %sub3A_222 = arith.constant 1 : i32
      %sub3A_223 = arith.subi %div3A, %sub3A_222 : i32
      %select_n3A_224 = arith.select %and3A, %sub3A_223, %div3A : i32
      %while3A = arith.constant 0 : i32
      %while3A_225 = arith.constant 0 : i32
      %while3A_226 = arith.subi %select_n3A_224, %while3A_225 : i32
      %while3A_227 = arith.addi %while3A_225, %while3A_226 : i32
      %while3A_228 = arith.constant 1 : i32
      %while3A_229 = arith.divsi %while3A_226, %while3A_228 : i32
      %while3A_230 = arith.muli %while3A_229, %while3A_228 : i32
      %while3A_231 = arith.addi %while3A_225, %while3A_230 : i32
      %while3A_232 = arith.constant 1 : i32
      scf.for %while3A_248 = %while3A_225 to %while3A_231 step %while3A_232  : i32 {
        %mul3A_249 = arith.constant 128 : i32
        %mul3A_250 = arith.muli %while3A_248, %mul3A_249 : i32
        %add3A_251 = arith.constant 0 : i32
        %add3A_252 = arith.addi %mul3A_250, %add3A_251 : i32
        %get3A_253 = arith.index_cast %add3A_252 : i32 to index
        %get3A_254 = tpu.vector_load %arg11[%get3A_253] {strides = array<i32>} : memref<20256xi32, #tpu.memory_space<vmem>>, vector<16xi32>,
        %get3A_255 = vector.shape_cast %get3A_254 : vector<16xi32> to vector<16xi32>
        %swap3A_256 = arith.constant 0 : index
        %swap3A_257 = tpu.vector_load %arg13[%swap3A_256] {strides = array<i32>} : memref<128xi32, #tpu.memory_space<vmem>>, vector<16xi32>,
        %swap3A_258 = vector.shape_cast %swap3A_257 : vector<16xi32> to vector<16xi32>
        %swap3A_259 = vector.shape_cast %get3A_255 : vector<16xi32> to vector<16xi32>
        tpu.vector_store %arg13[%swap3A_256], %swap3A_259 {strides = array<i32>} : memref<128xi32, #tpu.memory_space<vmem>>, vector<16xi32>,
        %mul3A_260 = arith.constant 128 : i32
        %mul3A_261 = arith.muli %while3A_248, %mul3A_260 : i32
        %add3A_262 = arith.constant 0 : i32
        %add3A_263 = arith.addi %mul3A_261, %add3A_262 : i32
        %get3A_264 = arith.index_cast %add3A_263 : i32 to index
        %get3A_265 = tpu.vector_load %arg12[%get3A_264] {strides = array<i32>} : memref<20256xi32, #tpu.memory_space<vmem>>, vector<16xi32>,
        %get3A_266 = vector.shape_cast %get3A_265 : vector<16xi32> to vector<16xi32>
        %swap3A_267 = arith.constant 0 : index
        %swap3A_268 = tpu.vector_load %arg14[%swap3A_267] {strides = array<i32>} : memref<128xi32, #tpu.memory_space<vmem>>, vector<16xi32>,
        %swap3A_269 = vector.shape_cast %swap3A_268 : vector<16xi32> to vector<16xi32>
        %swap3A_270 = vector.shape_cast %get3A_266 : vector<16xi32> to vector<16xi32>
        tpu.vector_store %arg14[%swap3A_267], %swap3A_270 {strides = array<i32>} : memref<128xi32, #tpu.memory_space<vmem>>, vector<16xi32>,
        %mul3A_271 = arith.constant 128 : i32
        %mul3A_272 = arith.muli %while3A_248, %mul3A_271 : i32
        %add3A_273 = arith.constant 16 : i32
        %add3A_274 = arith.addi %mul3A_272, %add3A_273 : i32
        %get3A_275 = arith.index_cast %add3A_274 : i32 to index
        %get3A_276 = tpu.vector_load %arg11[%get3A_275] {strides = array<i32>} : memref<20256xi32, #tpu.memory_space<vmem>>, vector<16xi32>,
        %get3A_277 = vector.shape_cast %get3A_276 : vector<16xi32> to vector<16xi32>
        %swap3A_278 = arith.constant 16 : index
        %swap3A_279 = tpu.vector_load %arg13[%swap3A_278] {strides = array<i32>} : memref<128xi32, #tpu.memory_space<vmem>>, vector<16xi32>,
        %swap3A_280 = vector.shape_cast %swap3A_279 : vector<16xi32> to vector<16xi32>
        %swap3A_281 = vector.shape_cast %get3A_277 : vector<16xi32> to vector<16xi32>
        tpu.vector_store %arg13[%swap3A_278], %swap3A_281 {strides = array<i32>} : memref<128xi32, #tpu.memory_space<vmem>>, vector<16xi32>,
        %mul3A_282 = arith.constant 128 : i32
        %mul3A_283 = arith.muli %while3A_248, %mul3A_282 : i32
        %add3A_284 = arith.constant 16 : i32
        %add3A_285 = arith.addi %mul3A_283, %add3A_284 : i32
        %get3A_286 = arith.index_cast %add3A_285 : i32 to index
        %get3A_287 = tpu.vector_load %arg12[%get3A_286] {strides = array<i32>} : memref<20256xi32, #tpu.memory_space<vmem>>, vector<16xi32>,
        %get3A_288 = vector.shape_cast %get3A_287 : vector<16xi32> to vector<16xi32>
        %swap3A_289 = arith.constant 16 : index
        %swap3A_290 = tpu.vector_load %arg14[%swap3A_289] {strides = array<i32>} : memref<128xi32, #tpu.memory_space<vmem>>, vector<16xi32>,
        %swap3A_291 = vector.shape_cast %swap3A_290 : vector<16xi32> to vector<16xi32>
        %swap3A_292 = vector.shape_cast %get3A_288 : vector<16xi32> to vector<16xi32>
        tpu.vector_store %arg14[%swap3A_289], %swap3A_292 {strides = array<i32>} : memref<128xi32, #tpu.memory_space<vmem>>, vector<16xi32>,
        %mul3A_293 = arith.constant 128 : i32
        %mul3A_294 = arith.muli %while3A_248, %mul3A_293 : i32
        %add3A_295 = arith.constant 32 : i32
        %add3A_296 = arith.addi %mul3A_294, %add3A_295 : i32
        %get3A_297 = arith.index_cast %add3A_296 : i32 to index
        %get3A_298 = tpu.vector_load %arg11[%get3A_297] {strides = array<i32>} : memref<20256xi32, #tpu.memory_space<vmem>>, vector<16xi32>,
        %get3A_299 = vector.shape_cast %get3A_298 : vector<16xi32> to vector<16xi32>
        %swap3A_300 = arith.constant 32 : index
        %swap3A_301 = tpu.vector_load %arg13[%swap3A_300] {strides = array<i32>} : memref<128xi32, #tpu.memory_space<vmem>>, vector<16xi32>,
        %swap3A_302 = vector.shape_cast %swap3A_301 : vector<16xi32> to vector<16xi32>
        %swap3A_303 = vector.shape_cast %get3A_299 : vector<16xi32> to vector<16xi32>
        tpu.vector_store %arg13[%swap3A_300], %swap3A_303 {strides = array<i32>} : memref<128xi32, #tpu.memory_space<vmem>>, vector<16xi32>,
        %mul3A_304 = arith.constant 128 : i32
        %mul3A_305 = arith.muli %while3A_248, %mul3A_304 : i32
        %add3A_306 = arith.constant 32 : i32
        %add3A_307 = arith.addi %mul3A_305, %add3A_306 : i32
        %get3A_308 = arith.index_cast %add3A_307 : i32 to index
        %get3A_309 = tpu.vector_load %arg12[%get3A_308] {strides = array<i32>} : memref<20256xi32, #tpu.memory_space<vmem>>, vector<16xi32>,
        %get3A_310 = vector.shape_cast %get3A_309 : vector<16xi32> to vector<16xi32>
        %swap3A_311 = arith.constant 32 : index
        %swap3A_312 = tpu.vector_load %arg14[%swap3A_311] {strides = array<i32>} : memref<128xi32, #tpu.memory_space<vmem>>, vector<16xi32>,
        %swap3A_313 = vector.shape_cast %swap3A_312 : vector<16xi32> to vector<16xi32>
        %swap3A_314 = vector.shape_cast %get3A_310 : vector<16xi32> to vector<16xi32>
        tpu.vector_store %arg14[%swap3A_311], %swap3A_314 {strides = array<i32>} : memref<128xi32, #tpu.memory_space<vmem>>, vector<16xi32>,
        %mul3A_315 = arith.constant 128 : i32
        %mul3A_316 = arith.muli %while3A_248, %mul3A_315 : i32
        %add3A_317 = arith.constant 48 : i32
        %add3A_318 = arith.addi %mul3A_316, %add3A_317 : i32
        %get3A_319 = arith.index_cast %add3A_318 : i32 to index
        %get3A_320 = tpu.vector_load %arg11[%get3A_319] {strides = array<i32>} : memref<20256xi32, #tpu.memory_space<vmem>>, vector<16xi32>,
        %get3A_321 = vector.shape_cast %get3A_320 : vector<16xi32> to vector<16xi32>
        %swap3A_322 = arith.constant 48 : index
        %swap3A_323 = tpu.vector_load %arg13[%swap3A_322] {strides = array<i32>} : memref<128xi32, #tpu.memory_space<vmem>>, vector<16xi32>,
        %swap3A_324 = vector.shape_cast %swap3A_323 : vector<16xi32> to vector<16xi32>
        %swap3A_325 = vector.shape_cast %get3A_321 : vector<16xi32> to vector<16xi32>
        tpu.vector_store %arg13[%swap3A_322], %swap3A_325 {strides = array<i32>} : memref<128xi32, #tpu.memory_space<vmem>>, vector<16xi32>,
        %mul3A_326 = arith.constant 128 : i32
        %mul3A_327 = arith.muli %while3A_248, %mul3A_326 : i32
        %add3A_328 = arith.constant 48 : i32
        %add3A_329 = arith.addi %mul3A_327, %add3A_328 : i32
        %get3A_330 = arith.index_cast %add3A_329 : i32 to index
        %get3A_331 = tpu.vector_load %arg12[%get3A_330] {strides = array<i32>} : memref<20256xi32, #tpu.memory_space<vmem>>, vector<16xi32>,
        %get3A_332 = vector.shape_cast %get3A_331 : vector<16xi32> to vector<16xi32>
        %swap3A_333 = arith.constant 48 : index
        %swap3A_334 = tpu.vector_load %arg14[%swap3A_333] {strides = array<i32>} : memref<128xi32, #tpu.memory_space<vmem>>, vector<16xi32>,
        %swap3A_335 = vector.shape_cast %swap3A_334 : vector<16xi32> to vector<16xi32>
        %swap3A_336 = vector.shape_cast %get3A_332 : vector<16xi32> to vector<16xi32>
        tpu.vector_store %arg14[%swap3A_333], %swap3A_336 {strides = array<i32>} : memref<128xi32, #tpu.memory_space<vmem>>, vector<16xi32>,
        %mul3A_337 = arith.constant 128 : i32
        %mul3A_338 = arith.muli %while3A_248, %mul3A_337 : i32
        %add3A_339 = arith.constant 64 : i32
        %add3A_340 = arith.addi %mul3A_338, %add3A_339 : i32
        %get3A_341 = arith.index_cast %add3A_340 : i32 to index
        %get3A_342 = tpu.vector_load %arg11[%get3A_341] {strides = array<i32>} : memref<20256xi32, #tpu.memory_space<vmem>>, vector<16xi32>,
        %get3A_343 = vector.shape_cast %get3A_342 : vector<16xi32> to vector<16xi32>
        %swap3A_344 = arith.constant 64 : index
        %swap3A_345 = tpu.vector_load %arg13[%swap3A_344] {strides = array<i32>} : memref<128xi32, #tpu.memory_space<vmem>>, vector<16xi32>,
        %swap3A_346 = vector.shape_cast %swap3A_345 : vector<16xi32> to vector<16xi32>
        %swap3A_347 = vector.shape_cast %get3A_343 : vector<16xi32> to vector<16xi32>
        tpu.vector_store %arg13[%swap3A_344], %swap3A_347 {strides = array<i32>} : memref<128xi32, #tpu.memory_space<vmem>>, vector<16xi32>,
        %mul3A_348 = arith.constant 128 : i32
        %mul3A_349 = arith.muli %while3A_248, %mul3A_348 : i32
        %add3A_350 = arith.constant 64 : i32
        %add3A_351 = arith.addi %mul3A_349, %add3A_350 : i32
        %get3A_352 = arith.index_cast %add3A_351 : i32 to index
        %get3A_353 = tpu.vector_load %arg12[%get3A_352] {strides = array<i32>} : memref<20256xi32, #tpu.memory_space<vmem>>, vector<16xi32>,
        %get3A_354 = vector.shape_cast %get3A_353 : vector<16xi32> to vector<16xi32>
        %swap3A_355 = arith.constant 64 : index
        %swap3A_356 = tpu.vector_load %arg14[%swap3A_355] {strides = array<i32>} : memref<128xi32, #tpu.memory_space<vmem>>, vector<16xi32>,
        %swap3A_357 = vector.shape_cast %swap3A_356 : vector<16xi32> to vector<16xi32>
        %swap3A_358 = vector.shape_cast %get3A_354 : vector<16xi32> to vector<16xi32>
        tpu.vector_store %arg14[%swap3A_355], %swap3A_358 {strides = array<i32>} : memref<128xi32, #tpu.memory_space<vmem>>, vector<16xi32>,
        %mul3A_359 = arith.constant 128 : i32
        %mul3A_360 = arith.muli %while3A_248, %mul3A_359 : i32
        %add3A_361 = arith.constant 80 : i32
        %add3A_362 = arith.addi %mul3A_360, %add3A_361 : i32
        %get3A_363 = arith.index_cast %add3A_362 : i32 to index
        %get3A_364 = tpu.vector_load %arg11[%get3A_363] {strides = array<i32>} : memref<20256xi32, #tpu.memory_space<vmem>>, vector<16xi32>,
        %get3A_365 = vector.shape_cast %get3A_364 : vector<16xi32> to vector<16xi32>
        %swap3A_366 = arith.constant 80 : index
        %swap3A_367 = tpu.vector_load %arg13[%swap3A_366] {strides = array<i32>} : memref<128xi32, #tpu.memory_space<vmem>>, vector<16xi32>,
        %swap3A_368 = vector.shape_cast %swap3A_367 : vector<16xi32> to vector<16xi32>
        %swap3A_369 = vector.shape_cast %get3A_365 : vector<16xi32> to vector<16xi32>
        tpu.vector_store %arg13[%swap3A_366], %swap3A_369 {strides = array<i32>} : memref<128xi32, #tpu.memory_space<vmem>>, vector<16xi32>,
        %mul3A_370 = arith.constant 128 : i32
        %mul3A_371 = arith.muli %while3A_248, %mul3A_370 : i32
        %add3A_372 = arith.constant 80 : i32
        %add3A_373 = arith.addi %mul3A_371, %add3A_372 : i32
        %get3A_374 = arith.index_cast %add3A_373 : i32 to index
        %get3A_375 = tpu.vector_load %arg12[%get3A_374] {strides = array<i32>} : memref<20256xi32, #tpu.memory_space<vmem>>, vector<16xi32>,
        %get3A_376 = vector.shape_cast %get3A_375 : vector<16xi32> to vector<16xi32>
        %swap3A_377 = arith.constant 80 : index
        %swap3A_378 = tpu.vector_load %arg14[%swap3A_377] {strides = array<i32>} : memref<128xi32, #tpu.memory_space<vmem>>, vector<16xi32>,
        %swap3A_379 = vector.shape_cast %swap3A_378 : vector<16xi32> to vector<16xi32>
        %swap3A_380 = vector.shape_cast %get3A_376 : vector<16xi32> to vector<16xi32>
        tpu.vector_store %arg14[%swap3A_377], %swap3A_380 {strides = array<i32>} : memref<128xi32, #tpu.memory_space<vmem>>, vector<16xi32>,
        %mul3A_381 = arith.constant 128 : i32
        %mul3A_382 = arith.muli %while3A_248, %mul3A_381 : i32
        %add3A_383 = arith.constant 96 : i32
        %add3A_384 = arith.addi %mul3A_382, %add3A_383 : i32
        %get3A_385 = arith.index_cast %add3A_384 : i32 to index
        %get3A_386 = tpu.vector_load %arg11[%get3A_385] {strides = array<i32>} : memref<20256xi32, #tpu.memory_space<vmem>>, vector<16xi32>,
        %get3A_387 = vector.shape_cast %get3A_386 : vector<16xi32> to vector<16xi32>
        %swap3A_388 = arith.constant 96 : index
        %swap3A_389 = tpu.vector_load %arg13[%swap3A_388] {strides = array<i32>} : memref<128xi32, #tpu.memory_space<vmem>>, vector<16xi32>,
        %swap3A_390 = vector.shape_cast %swap3A_389 : vector<16xi32> to vector<16xi32>
        %swap3A_391 = vector.shape_cast %get3A_387 : vector<16xi32> to vector<16xi32>
        tpu.vector_store %arg13[%swap3A_388], %swap3A_391 {strides = array<i32>} : memref<128xi32, #tpu.memory_space<vmem>>, vector<16xi32>,
        %mul3A_392 = arith.constant 128 : i32
        %mul3A_393 = arith.muli %while3A_248, %mul3A_392 : i32
        %add3A_394 = arith.constant 96 : i32
        %add3A_395 = arith.addi %mul3A_393, %add3A_394 : i32
        %get3A_396 = arith.index_cast %add3A_395 : i32 to index
        %get3A_397 = tpu.vector_load %arg12[%get3A_396] {strides = array<i32>} : memref<20256xi32, #tpu.memory_space<vmem>>, vector<16xi32>,
        %get3A_398 = vector.shape_cast %get3A_397 : vector<16xi32> to vector<16xi32>
        %swap3A_399 = arith.constant 96 : index
        %swap3A_400 = tpu.vector_load %arg14[%swap3A_399] {strides = array<i32>} : memref<128xi32, #tpu.memory_space<vmem>>, vector<16xi32>,
        %swap3A_401 = vector.shape_cast %swap3A_400 : vector<16xi32> to vector<16xi32>
        %swap3A_402 = vector.shape_cast %get3A_398 : vector<16xi32> to vector<16xi32>
        tpu.vector_store %arg14[%swap3A_399], %swap3A_402 {strides = array<i32>} : memref<128xi32, #tpu.memory_space<vmem>>, vector<16xi32>,
        %mul3A_403 = arith.constant 128 : i32
        %mul3A_404 = arith.muli %while3A_248, %mul3A_403 : i32
        %add3A_405 = arith.constant 112 : i32
        %add3A_406 = arith.addi %mul3A_404, %add3A_405 : i32
        %get3A_407 = arith.index_cast %add3A_406 : i32 to index
        %get3A_408 = tpu.vector_load %arg11[%get3A_407] {strides = array<i32>} : memref<20256xi32, #tpu.memory_space<vmem>>, vector<16xi32>,
        %get3A_409 = vector.shape_cast %get3A_408 : vector<16xi32> to vector<16xi32>
        %swap3A_410 = arith.constant 112 : index
        %swap3A_411 = tpu.vector_load %arg13[%swap3A_410] {strides = array<i32>} : memref<128xi32, #tpu.memory_space<vmem>>, vector<16xi32>,
        %swap3A_412 = vector.shape_cast %swap3A_411 : vector<16xi32> to vector<16xi32>
        %swap3A_413 = vector.shape_cast %get3A_409 : vector<16xi32> to vector<16xi32>
        tpu.vector_store %arg13[%swap3A_410], %swap3A_413 {strides = array<i32>} : memref<128xi32, #tpu.memory_space<vmem>>, vector<16xi32>,
        %mul3A_414 = arith.constant 128 : i32
        %mul3A_415 = arith.muli %while3A_248, %mul3A_414 : i32
        %add3A_416 = arith.constant 112 : i32
        %add3A_417 = arith.addi %mul3A_415, %add3A_416 : i32
        %get3A_418 = arith.index_cast %add3A_417 : i32 to index
        %get3A_419 = tpu.vector_load %arg12[%get3A_418] {strides = array<i32>} : memref<20256xi32, #tpu.memory_space<vmem>>, vector<16xi32>,
        %get3A_420 = vector.shape_cast %get3A_419 : vector<16xi32> to vector<16xi32>
        %swap3A_421 = arith.constant 112 : index
        %swap3A_422 = tpu.vector_load %arg14[%swap3A_421] {strides = array<i32>} : memref<128xi32, #tpu.memory_space<vmem>>, vector<16xi32>,
        %swap3A_423 = vector.shape_cast %swap3A_422 : vector<16xi32> to vector<16xi32>
        %swap3A_424 = vector.shape_cast %get3A_420 : vector<16xi32> to vector<16xi32>
        tpu.vector_store %arg14[%swap3A_421], %swap3A_424 {strides = array<i32>} : memref<128xi32, #tpu.memory_space<vmem>>, vector<16xi32>,
        %dma_start3A = arith.constant 0 : i32
        %dma_start3A_425 = arith.constant 0 : i32
        %dma_start3A_426 = tpu.memref_slice %arg4[%dma_start3A, %dma_start3A_425] : memref<50000x128xf32, #tpu.memory_space<hbm>> -> memref<50000x128xf32, #tpu.memory_space<hbm>>
        tpu.enqueue_indirect_dma source(%dma_start3A_426 : memref<50000x128xf32, #tpu.memory_space<hbm>>) target(%arg15 : memref<128x128xf32, #tpu.memory_space<vmem>>) offsets(%arg13 : memref<128xi32, #tpu.memory_space<vmem>>) semaphore(%arg22 : memref<!tpu.dma_semaphore, #tpu.memory_space<semaphore_mem>>)
        %dma_wait3A = arith.constant 0 : i32
        %dma_wait3A_427 = arith.constant 0 : i32
        %dma_wait3A_428 = tpu.memref_slice %arg4[%dma_wait3A, %dma_wait3A_427] : memref<50000x128xf32, #tpu.memory_space<hbm>> -> memref<50000x128xf32, #tpu.memory_space<hbm>>
        tpu.wait_indirect_dma semaphore(%arg22 : memref<!tpu.dma_semaphore, #tpu.memory_space<semaphore_mem>>) src(%dma_wait3A_428 : memref<50000x128xf32, #tpu.memory_space<hbm>>) dst(%arg15 : memref<128x128xf32, #tpu.memory_space<vmem>>)
        "tpu.region"() ({
          %run_scoped3A = tpu.sem_alloc : memref<!tpu.dma_semaphore, #tpu.memory_space<semaphore_mem>>
          %dma_start3A_429 = arith.constant 0 : i32
          %dma_start3A_430 = arith.constant 0 : i32
          %dma_start3A_431 = tpu.memref_slice %arg20[%dma_start3A_429, %dma_start3A_430] : memref<1808x128xf32, #tpu.memory_space<vmem_shared>> -> memref<1808x128xf32, #tpu.memory_space<vmem_shared>>
          tpu.enqueue_indirect_dma source(%arg15 : memref<128x128xf32, #tpu.memory_space<vmem>>) target(%dma_start3A_431 : memref<1808x128xf32, #tpu.memory_space<vmem_shared>>) offsets(%arg14 : memref<128xi32, #tpu.memory_space<vmem>>) semaphore(%run_scoped3A : memref<!tpu.dma_semaphore, #tpu.memory_space<semaphore_mem>>) {add = true}
          %dma_wait3A_432 = arith.constant 0 : i32
          %dma_wait3A_433 = arith.constant 0 : i32
          %dma_wait3A_434 = tpu.memref_slice %arg20[%dma_wait3A_432, %dma_wait3A_433] : memref<1808x128xf32, #tpu.memory_space<vmem_shared>> -> memref<1808x128xf32, #tpu.memory_space<vmem_shared>>
          tpu.wait_indirect_dma semaphore(%run_scoped3A : memref<!tpu.dma_semaphore, #tpu.memory_space<semaphore_mem>>) src(%arg15 : memref<128x128xf32, #tpu.memory_space<vmem>>) dst(%dma_wait3A_434 : memref<1808x128xf32, #tpu.memory_space<vmem_shared>>)
          tpu.yield
        }) : () -> ()
        "tpu.region"() ({
          %run_scoped3A = tpu.sem_alloc : memref<!tpu.dma_semaphore, #tpu.memory_space<semaphore_mem>>
          %dma_start3A_429 = arith.constant 0 : i32
          %dma_start3A_430 = tpu.memref_slice %arg21[%dma_start3A_429] : memref<1808xf32, #tpu.memory_space<vmem_shared>> -> memref<1808xf32, #tpu.memory_space<vmem_shared>>
          tpu.enqueue_indirect_dma source(%arg16 : memref<128xf32, #tpu.memory_space<vmem>>) target(%dma_start3A_430 : memref<1808xf32, #tpu.memory_space<vmem_shared>>) offsets(%arg14 : memref<128xi32, #tpu.memory_space<vmem>>) semaphore(%run_scoped3A : memref<!tpu.dma_semaphore, #tpu.memory_space<semaphore_mem>>) {add = true}
          %dma_wait3A_431 = arith.constant 0 : i32
          %dma_wait3A_432 = tpu.memref_slice %arg21[%dma_wait3A_431] : memref<1808xf32, #tpu.memory_space<vmem_shared>> -> memref<1808xf32, #tpu.memory_space<vmem_shared>>
          tpu.wait_indirect_dma semaphore(%run_scoped3A : memref<!tpu.dma_semaphore, #tpu.memory_space<semaphore_mem>>) src(%arg16 : memref<128xf32, #tpu.memory_space<vmem>>) dst(%dma_wait3A_432 : memref<1808xf32, #tpu.memory_space<vmem_shared>>)
          tpu.yield
        }) : () -> ()
      }
      %while3A_233 = arith.constant 1 : i32
      scf.for %while3A_248 = %while3A_231 to %while3A_227 step %while3A_233  : i32 {
        %mul3A_249 = arith.constant 128 : i32
        %mul3A_250 = arith.muli %while3A_248, %mul3A_249 : i32
        %add3A_251 = arith.constant 0 : i32
        %add3A_252 = arith.addi %mul3A_250, %add3A_251 : i32
        %get3A_253 = arith.index_cast %add3A_252 : i32 to index
        %get3A_254 = tpu.vector_load %arg11[%get3A_253] {strides = array<i32>} : memref<20256xi32, #tpu.memory_space<vmem>>, vector<16xi32>,
        %get3A_255 = vector.shape_cast %get3A_254 : vector<16xi32> to vector<16xi32>
        %swap3A_256 = arith.constant 0 : index
        %swap3A_257 = tpu.vector_load %arg13[%swap3A_256] {strides = array<i32>} : memref<128xi32, #tpu.memory_space<vmem>>, vector<16xi32>,
        %swap3A_258 = vector.shape_cast %swap3A_257 : vector<16xi32> to vector<16xi32>
        %swap3A_259 = vector.shape_cast %get3A_255 : vector<16xi32> to vector<16xi32>
        tpu.vector_store %arg13[%swap3A_256], %swap3A_259 {strides = array<i32>} : memref<128xi32, #tpu.memory_space<vmem>>, vector<16xi32>,
        %mul3A_260 = arith.constant 128 : i32
        %mul3A_261 = arith.muli %while3A_248, %mul3A_260 : i32
        %add3A_262 = arith.constant 0 : i32
        %add3A_263 = arith.addi %mul3A_261, %add3A_262 : i32
        %get3A_264 = arith.index_cast %add3A_263 : i32 to index
        %get3A_265 = tpu.vector_load %arg12[%get3A_264] {strides = array<i32>} : memref<20256xi32, #tpu.memory_space<vmem>>, vector<16xi32>,
        %get3A_266 = vector.shape_cast %get3A_265 : vector<16xi32> to vector<16xi32>
        %swap3A_267 = arith.constant 0 : index
        %swap3A_268 = tpu.vector_load %arg14[%swap3A_267] {strides = array<i32>} : memref<128xi32, #tpu.memory_space<vmem>>, vector<16xi32>,
        %swap3A_269 = vector.shape_cast %swap3A_268 : vector<16xi32> to vector<16xi32>
        %swap3A_270 = vector.shape_cast %get3A_266 : vector<16xi32> to vector<16xi32>
        tpu.vector_store %arg14[%swap3A_267], %swap3A_270 {strides = array<i32>} : memref<128xi32, #tpu.memory_space<vmem>>, vector<16xi32>,
        %mul3A_271 = arith.constant 128 : i32
        %mul3A_272 = arith.muli %while3A_248, %mul3A_271 : i32
        %add3A_273 = arith.constant 16 : i32
        %add3A_274 = arith.addi %mul3A_272, %add3A_273 : i32
        %get3A_275 = arith.index_cast %add3A_274 : i32 to index
        %get3A_276 = tpu.vector_load %arg11[%get3A_275] {strides = array<i32>} : memref<20256xi32, #tpu.memory_space<vmem>>, vector<16xi32>,
        %get3A_277 = vector.shape_cast %get3A_276 : vector<16xi32> to vector<16xi32>
        %swap3A_278 = arith.constant 16 : index
        %swap3A_279 = tpu.vector_load %arg13[%swap3A_278] {strides = array<i32>} : memref<128xi32, #tpu.memory_space<vmem>>, vector<16xi32>,
        %swap3A_280 = vector.shape_cast %swap3A_279 : vector<16xi32> to vector<16xi32>
        %swap3A_281 = vector.shape_cast %get3A_277 : vector<16xi32> to vector<16xi32>
        tpu.vector_store %arg13[%swap3A_278], %swap3A_281 {strides = array<i32>} : memref<128xi32, #tpu.memory_space<vmem>>, vector<16xi32>,
        %mul3A_282 = arith.constant 128 : i32
        %mul3A_283 = arith.muli %while3A_248, %mul3A_282 : i32
        %add3A_284 = arith.constant 16 : i32
        %add3A_285 = arith.addi %mul3A_283, %add3A_284 : i32
        %get3A_286 = arith.index_cast %add3A_285 : i32 to index
        %get3A_287 = tpu.vector_load %arg12[%get3A_286] {strides = array<i32>} : memref<20256xi32, #tpu.memory_space<vmem>>, vector<16xi32>,
        %get3A_288 = vector.shape_cast %get3A_287 : vector<16xi32> to vector<16xi32>
        %swap3A_289 = arith.constant 16 : index
        %swap3A_290 = tpu.vector_load %arg14[%swap3A_289] {strides = array<i32>} : memref<128xi32, #tpu.memory_space<vmem>>, vector<16xi32>,
        %swap3A_291 = vector.shape_cast %swap3A_290 : vector<16xi32> to vector<16xi32>
        %swap3A_292 = vector.shape_cast %get3A_288 : vector<16xi32> to vector<16xi32>
        tpu.vector_store %arg14[%swap3A_289], %swap3A_292 {strides = array<i32>} : memref<128xi32, #tpu.memory_space<vmem>>, vector<16xi32>,
        %mul3A_293 = arith.constant 128 : i32
        %mul3A_294 = arith.muli %while3A_248, %mul3A_293 : i32
        %add3A_295 = arith.constant 32 : i32
        %add3A_296 = arith.addi %mul3A_294, %add3A_295 : i32
        %get3A_297 = arith.index_cast %add3A_296 : i32 to index
        %get3A_298 = tpu.vector_load %arg11[%get3A_297] {strides = array<i32>} : memref<20256xi32, #tpu.memory_space<vmem>>, vector<16xi32>,
        %get3A_299 = vector.shape_cast %get3A_298 : vector<16xi32> to vector<16xi32>
        %swap3A_300 = arith.constant 32 : index
        %swap3A_301 = tpu.vector_load %arg13[%swap3A_300] {strides = array<i32>} : memref<128xi32, #tpu.memory_space<vmem>>, vector<16xi32>,
        %swap3A_302 = vector.shape_cast %swap3A_301 : vector<16xi32> to vector<16xi32>
        %swap3A_303 = vector.shape_cast %get3A_299 : vector<16xi32> to vector<16xi32>
        tpu.vector_store %arg13[%swap3A_300], %swap3A_303 {strides = array<i32>} : memref<128xi32, #tpu.memory_space<vmem>>, vector<16xi32>,
        %mul3A_304 = arith.constant 128 : i32
        %mul3A_305 = arith.muli %while3A_248, %mul3A_304 : i32
        %add3A_306 = arith.constant 32 : i32
        %add3A_307 = arith.addi %mul3A_305, %add3A_306 : i32
        %get3A_308 = arith.index_cast %add3A_307 : i32 to index
        %get3A_309 = tpu.vector_load %arg12[%get3A_308] {strides = array<i32>} : memref<20256xi32, #tpu.memory_space<vmem>>, vector<16xi32>,
        %get3A_310 = vector.shape_cast %get3A_309 : vector<16xi32> to vector<16xi32>
        %swap3A_311 = arith.constant 32 : index
        %swap3A_312 = tpu.vector_load %arg14[%swap3A_311] {strides = array<i32>} : memref<128xi32, #tpu.memory_space<vmem>>, vector<16xi32>,
        %swap3A_313 = vector.shape_cast %swap3A_312 : vector<16xi32> to vector<16xi32>
        %swap3A_314 = vector.shape_cast %get3A_310 : vector<16xi32> to vector<16xi32>
        tpu.vector_store %arg14[%swap3A_311], %swap3A_314 {strides = array<i32>} : memref<128xi32, #tpu.memory_space<vmem>>, vector<16xi32>,
        %mul3A_315 = arith.constant 128 : i32
        %mul3A_316 = arith.muli %while3A_248, %mul3A_315 : i32
        %add3A_317 = arith.constant 48 : i32
        %add3A_318 = arith.addi %mul3A_316, %add3A_317 : i32
        %get3A_319 = arith.index_cast %add3A_318 : i32 to index
        %get3A_320 = tpu.vector_load %arg11[%get3A_319] {strides = array<i32>} : memref<20256xi32, #tpu.memory_space<vmem>>, vector<16xi32>,
        %get3A_321 = vector.shape_cast %get3A_320 : vector<16xi32> to vector<16xi32>
        %swap3A_322 = arith.constant 48 : index
        %swap3A_323 = tpu.vector_load %arg13[%swap3A_322] {strides = array<i32>} : memref<128xi32, #tpu.memory_space<vmem>>, vector<16xi32>,
        %swap3A_324 = vector.shape_cast %swap3A_323 : vector<16xi32> to vector<16xi32>
        %swap3A_325 = vector.shape_cast %get3A_321 : vector<16xi32> to vector<16xi32>
        tpu.vector_store %arg13[%swap3A_322], %swap3A_325 {strides = array<i32>} : memref<128xi32, #tpu.memory_space<vmem>>, vector<16xi32>,
        %mul3A_326 = arith.constant 128 : i32
        %mul3A_327 = arith.muli %while3A_248, %mul3A_326 : i32
        %add3A_328 = arith.constant 48 : i32
        %add3A_329 = arith.addi %mul3A_327, %add3A_328 : i32
        %get3A_330 = arith.index_cast %add3A_329 : i32 to index
        %get3A_331 = tpu.vector_load %arg12[%get3A_330] {strides = array<i32>} : memref<20256xi32, #tpu.memory_space<vmem>>, vector<16xi32>,
        %get3A_332 = vector.shape_cast %get3A_331 : vector<16xi32> to vector<16xi32>
        %swap3A_333 = arith.constant 48 : index
        %swap3A_334 = tpu.vector_load %arg14[%swap3A_333] {strides = array<i32>} : memref<128xi32, #tpu.memory_space<vmem>>, vector<16xi32>,
        %swap3A_335 = vector.shape_cast %swap3A_334 : vector<16xi32> to vector<16xi32>
        %swap3A_336 = vector.shape_cast %get3A_332 : vector<16xi32> to vector<16xi32>
        tpu.vector_store %arg14[%swap3A_333], %swap3A_336 {strides = array<i32>} : memref<128xi32, #tpu.memory_space<vmem>>, vector<16xi32>,
        %mul3A_337 = arith.constant 128 : i32
        %mul3A_338 = arith.muli %while3A_248, %mul3A_337 : i32
        %add3A_339 = arith.constant 64 : i32
        %add3A_340 = arith.addi %mul3A_338, %add3A_339 : i32
        %get3A_341 = arith.index_cast %add3A_340 : i32 to index
        %get3A_342 = tpu.vector_load %arg11[%get3A_341] {strides = array<i32>} : memref<20256xi32, #tpu.memory_space<vmem>>, vector<16xi32>,
        %get3A_343 = vector.shape_cast %get3A_342 : vector<16xi32> to vector<16xi32>
        %swap3A_344 = arith.constant 64 : index
        %swap3A_345 = tpu.vector_load %arg13[%swap3A_344] {strides = array<i32>} : memref<128xi32, #tpu.memory_space<vmem>>, vector<16xi32>,
        %swap3A_346 = vector.shape_cast %swap3A_345 : vector<16xi32> to vector<16xi32>
        %swap3A_347 = vector.shape_cast %get3A_343 : vector<16xi32> to vector<16xi32>
        tpu.vector_store %arg13[%swap3A_344], %swap3A_347 {strides = array<i32>} : memref<128xi32, #tpu.memory_space<vmem>>, vector<16xi32>,
        %mul3A_348 = arith.constant 128 : i32
        %mul3A_349 = arith.muli %while3A_248, %mul3A_348 : i32
        %add3A_350 = arith.constant 64 : i32
        %add3A_351 = arith.addi %mul3A_349, %add3A_350 : i32
        %get3A_352 = arith.index_cast %add3A_351 : i32 to index
        %get3A_353 = tpu.vector_load %arg12[%get3A_352] {strides = array<i32>} : memref<20256xi32, #tpu.memory_space<vmem>>, vector<16xi32>,
        %get3A_354 = vector.shape_cast %get3A_353 : vector<16xi32> to vector<16xi32>
        %swap3A_355 = arith.constant 64 : index
        %swap3A_356 = tpu.vector_load %arg14[%swap3A_355] {strides = array<i32>} : memref<128xi32, #tpu.memory_space<vmem>>, vector<16xi32>,
        %swap3A_357 = vector.shape_cast %swap3A_356 : vector<16xi32> to vector<16xi32>
        %swap3A_358 = vector.shape_cast %get3A_354 : vector<16xi32> to vector<16xi32>
        tpu.vector_store %arg14[%swap3A_355], %swap3A_358 {strides = array<i32>} : memref<128xi32, #tpu.memory_space<vmem>>, vector<16xi32>,
        %mul3A_359 = arith.constant 128 : i32
        %mul3A_360 = arith.muli %while3A_248, %mul3A_359 : i32
        %add3A_361 = arith.constant 80 : i32
        %add3A_362 = arith.addi %mul3A_360, %add3A_361 : i32
        %get3A_363 = arith.index_cast %add3A_362 : i32 to index
        %get3A_364 = tpu.vector_load %arg11[%get3A_363] {strides = array<i32>} : memref<20256xi32, #tpu.memory_space<vmem>>, vector<16xi32>,
        %get3A_365 = vector.shape_cast %get3A_364 : vector<16xi32> to vector<16xi32>
        %swap3A_366 = arith.constant 80 : index
        %swap3A_367 = tpu.vector_load %arg13[%swap3A_366] {strides = array<i32>} : memref<128xi32, #tpu.memory_space<vmem>>, vector<16xi32>,
        %swap3A_368 = vector.shape_cast %swap3A_367 : vector<16xi32> to vector<16xi32>
        %swap3A_369 = vector.shape_cast %get3A_365 : vector<16xi32> to vector<16xi32>
        tpu.vector_store %arg13[%swap3A_366], %swap3A_369 {strides = array<i32>} : memref<128xi32, #tpu.memory_space<vmem>>, vector<16xi32>,
        %mul3A_370 = arith.constant 128 : i32
        %mul3A_371 = arith.muli %while3A_248, %mul3A_370 : i32
        %add3A_372 = arith.constant 80 : i32
        %add3A_373 = arith.addi %mul3A_371, %add3A_372 : i32
        %get3A_374 = arith.index_cast %add3A_373 : i32 to index
        %get3A_375 = tpu.vector_load %arg12[%get3A_374] {strides = array<i32>} : memref<20256xi32, #tpu.memory_space<vmem>>, vector<16xi32>,
        %get3A_376 = vector.shape_cast %get3A_375 : vector<16xi32> to vector<16xi32>
        %swap3A_377 = arith.constant 80 : index
        %swap3A_378 = tpu.vector_load %arg14[%swap3A_377] {strides = array<i32>} : memref<128xi32, #tpu.memory_space<vmem>>, vector<16xi32>,
        %swap3A_379 = vector.shape_cast %swap3A_378 : vector<16xi32> to vector<16xi32>
        %swap3A_380 = vector.shape_cast %get3A_376 : vector<16xi32> to vector<16xi32>
        tpu.vector_store %arg14[%swap3A_377], %swap3A_380 {strides = array<i32>} : memref<128xi32, #tpu.memory_space<vmem>>, vector<16xi32>,
        %mul3A_381 = arith.constant 128 : i32
        %mul3A_382 = arith.muli %while3A_248, %mul3A_381 : i32
        %add3A_383 = arith.constant 96 : i32
        %add3A_384 = arith.addi %mul3A_382, %add3A_383 : i32
        %get3A_385 = arith.index_cast %add3A_384 : i32 to index
        %get3A_386 = tpu.vector_load %arg11[%get3A_385] {strides = array<i32>} : memref<20256xi32, #tpu.memory_space<vmem>>, vector<16xi32>,
        %get3A_387 = vector.shape_cast %get3A_386 : vector<16xi32> to vector<16xi32>
        %swap3A_388 = arith.constant 96 : index
        %swap3A_389 = tpu.vector_load %arg13[%swap3A_388] {strides = array<i32>} : memref<128xi32, #tpu.memory_space<vmem>>, vector<16xi32>,
        %swap3A_390 = vector.shape_cast %swap3A_389 : vector<16xi32> to vector<16xi32>
        %swap3A_391 = vector.shape_cast %get3A_387 : vector<16xi32> to vector<16xi32>
        tpu.vector_store %arg13[%swap3A_388], %swap3A_391 {strides = array<i32>} : memref<128xi32, #tpu.memory_space<vmem>>, vector<16xi32>,
        %mul3A_392 = arith.constant 128 : i32
        %mul3A_393 = arith.muli %while3A_248, %mul3A_392 : i32
        %add3A_394 = arith.constant 96 : i32
        %add3A_395 = arith.addi %mul3A_393, %add3A_394 : i32
        %get3A_396 = arith.index_cast %add3A_395 : i32 to index
        %get3A_397 = tpu.vector_load %arg12[%get3A_396] {strides = array<i32>} : memref<20256xi32, #tpu.memory_space<vmem>>, vector<16xi32>,
        %get3A_398 = vector.shape_cast %get3A_397 : vector<16xi32> to vector<16xi32>
        %swap3A_399 = arith.constant 96 : index
        %swap3A_400 = tpu.vector_load %arg14[%swap3A_399] {strides = array<i32>} : memref<128xi32, #tpu.memory_space<vmem>>, vector<16xi32>,
        %swap3A_401 = vector.shape_cast %swap3A_400 : vector<16xi32> to vector<16xi32>
        %swap3A_402 = vector.shape_cast %get3A_398 : vector<16xi32> to vector<16xi32>
        tpu.vector_store %arg14[%swap3A_399], %swap3A_402 {strides = array<i32>} : memref<128xi32, #tpu.memory_space<vmem>>, vector<16xi32>,
        %mul3A_403 = arith.constant 128 : i32
        %mul3A_404 = arith.muli %while3A_248, %mul3A_403 : i32
        %add3A_405 = arith.constant 112 : i32
        %add3A_406 = arith.addi %mul3A_404, %add3A_405 : i32
        %get3A_407 = arith.index_cast %add3A_406 : i32 to index
        %get3A_408 = tpu.vector_load %arg11[%get3A_407] {strides = array<i32>} : memref<20256xi32, #tpu.memory_space<vmem>>, vector<16xi32>,
        %get3A_409 = vector.shape_cast %get3A_408 : vector<16xi32> to vector<16xi32>
        %swap3A_410 = arith.constant 112 : index
        %swap3A_411 = tpu.vector_load %arg13[%swap3A_410] {strides = array<i32>} : memref<128xi32, #tpu.memory_space<vmem>>, vector<16xi32>,
        %swap3A_412 = vector.shape_cast %swap3A_411 : vector<16xi32> to vector<16xi32>
        %swap3A_413 = vector.shape_cast %get3A_409 : vector<16xi32> to vector<16xi32>
        tpu.vector_store %arg13[%swap3A_410], %swap3A_413 {strides = array<i32>} : memref<128xi32, #tpu.memory_space<vmem>>, vector<16xi32>,
        %mul3A_414 = arith.constant 128 : i32
        %mul3A_415 = arith.muli %while3A_248, %mul3A_414 : i32
        %add3A_416 = arith.constant 112 : i32
        %add3A_417 = arith.addi %mul3A_415, %add3A_416 : i32
        %get3A_418 = arith.index_cast %add3A_417 : i32 to index
        %get3A_419 = tpu.vector_load %arg12[%get3A_418] {strides = array<i32>} : memref<20256xi32, #tpu.memory_space<vmem>>, vector<16xi32>,
        %get3A_420 = vector.shape_cast %get3A_419 : vector<16xi32> to vector<16xi32>
        %swap3A_421 = arith.constant 112 : index
        %swap3A_422 = tpu.vector_load %arg14[%swap3A_421] {strides = array<i32>} : memref<128xi32, #tpu.memory_space<vmem>>, vector<16xi32>,
        %swap3A_423 = vector.shape_cast %swap3A_422 : vector<16xi32> to vector<16xi32>
        %swap3A_424 = vector.shape_cast %get3A_420 : vector<16xi32> to vector<16xi32>
        tpu.vector_store %arg14[%swap3A_421], %swap3A_424 {strides = array<i32>} : memref<128xi32, #tpu.memory_space<vmem>>, vector<16xi32>,
        %dma_start3A = arith.constant 0 : i32
        %dma_start3A_425 = arith.constant 0 : i32
        %dma_start3A_426 = tpu.memref_slice %arg4[%dma_start3A, %dma_start3A_425] : memref<50000x128xf32, #tpu.memory_space<hbm>> -> memref<50000x128xf32, #tpu.memory_space<hbm>>
        tpu.enqueue_indirect_dma source(%dma_start3A_426 : memref<50000x128xf32, #tpu.memory_space<hbm>>) target(%arg15 : memref<128x128xf32, #tpu.memory_space<vmem>>) offsets(%arg13 : memref<128xi32, #tpu.memory_space<vmem>>) semaphore(%arg22 : memref<!tpu.dma_semaphore, #tpu.memory_space<semaphore_mem>>)
        %dma_wait3A = arith.constant 0 : i32
        %dma_wait3A_427 = arith.constant 0 : i32
        %dma_wait3A_428 = tpu.memref_slice %arg4[%dma_wait3A, %dma_wait3A_427] : memref<50000x128xf32, #tpu.memory_space<hbm>> -> memref<50000x128xf32, #tpu.memory_space<hbm>>
        tpu.wait_indirect_dma semaphore(%arg22 : memref<!tpu.dma_semaphore, #tpu.memory_space<semaphore_mem>>) src(%dma_wait3A_428 : memref<50000x128xf32, #tpu.memory_space<hbm>>) dst(%arg15 : memref<128x128xf32, #tpu.memory_space<vmem>>)
        "tpu.region"() ({
          %run_scoped3A = tpu.sem_alloc : memref<!tpu.dma_semaphore, #tpu.memory_space<semaphore_mem>>
          %dma_start3A_429 = arith.constant 0 : i32
          %dma_start3A_430 = arith.constant 0 : i32
          %dma_start3A_431 = tpu.memref_slice %arg20[%dma_start3A_429, %dma_start3A_430] : memref<1808x128xf32, #tpu.memory_space<vmem_shared>> -> memref<1808x128xf32, #tpu.memory_space<vmem_shared>>
          tpu.enqueue_indirect_dma source(%arg15 : memref<128x128xf32, #tpu.memory_space<vmem>>) target(%dma_start3A_431 : memref<1808x128xf32, #tpu.memory_space<vmem_shared>>) offsets(%arg14 : memref<128xi32, #tpu.memory_space<vmem>>) semaphore(%run_scoped3A : memref<!tpu.dma_semaphore, #tpu.memory_space<semaphore_mem>>) {add = true}
          %dma_wait3A_432 = arith.constant 0 : i32
          %dma_wait3A_433 = arith.constant 0 : i32
          %dma_wait3A_434 = tpu.memref_slice %arg20[%dma_wait3A_432, %dma_wait3A_433] : memref<1808x128xf32, #tpu.memory_space<vmem_shared>> -> memref<1808x128xf32, #tpu.memory_space<vmem_shared>>
          tpu.wait_indirect_dma semaphore(%run_scoped3A : memref<!tpu.dma_semaphore, #tpu.memory_space<semaphore_mem>>) src(%arg15 : memref<128x128xf32, #tpu.memory_space<vmem>>) dst(%dma_wait3A_434 : memref<1808x128xf32, #tpu.memory_space<vmem_shared>>)
          tpu.yield
        }) : () -> ()
        "tpu.region"() ({
          %run_scoped3A = tpu.sem_alloc : memref<!tpu.dma_semaphore, #tpu.memory_space<semaphore_mem>>
          %dma_start3A_429 = arith.constant 0 : i32
          %dma_start3A_430 = tpu.memref_slice %arg21[%dma_start3A_429] : memref<1808xf32, #tpu.memory_space<vmem_shared>> -> memref<1808xf32, #tpu.memory_space<vmem_shared>>
          tpu.enqueue_indirect_dma source(%arg16 : memref<128xf32, #tpu.memory_space<vmem>>) target(%dma_start3A_430 : memref<1808xf32, #tpu.memory_space<vmem_shared>>) offsets(%arg14 : memref<128xi32, #tpu.memory_space<vmem>>) semaphore(%run_scoped3A : memref<!tpu.dma_semaphore, #tpu.memory_space<semaphore_mem>>) {add = true}
          %dma_wait3A_431 = arith.constant 0 : i32
          %dma_wait3A_432 = tpu.memref_slice %arg21[%dma_wait3A_431] : memref<1808xf32, #tpu.memory_space<vmem_shared>> -> memref<1808xf32, #tpu.memory_space<vmem_shared>>
          tpu.wait_indirect_dma semaphore(%run_scoped3A : memref<!tpu.dma_semaphore, #tpu.memory_space<semaphore_mem>>) src(%arg16 : memref<128xf32, #tpu.memory_space<vmem>>) dst(%dma_wait3A_432 : memref<1808xf32, #tpu.memory_space<vmem_shared>>)
          tpu.yield
        }) : () -> ()
      }
      %barrier3A_234 = arith.constant 0 : index
      tpu.barrier barrier_id(%barrier3A_234)
      %mul3A_235 = arith.constant 112 : i32
      %mul3A_236 = arith.muli %arg1, %mul3A_235 : i32
      %mul3A_237 = arith.constant 112 : i32
      %mul3A_238 = arith.muli %arg1, %mul3A_237 : i32
      %add3A_239 = arith.addi %mul3A_71, %mul3A_238 : i32
      "tpu.region"() ({
        %run_scoped3A = tpu.sem_alloc : memref<!tpu.dma_semaphore, #tpu.memory_space<semaphore_mem>>
        %dma_start3A = arith.constant 0 : i32
        %dma_start3A_248 = tpu.memref_slice %arg7[%add3A_239, %dma_start3A] : memref<100352x128xf32, #tpu.memory_space<hbm>> -> memref<112x128xf32, #tpu.memory_space<hbm>>
        %dma_start3A_249 = arith.constant 0 : i32
        %dma_start3A_250 = tpu.memref_slice %arg20[%mul3A_236, %dma_start3A_249] : memref<1808x128xf32, #tpu.memory_space<vmem_shared>> -> memref<112x128xf32, #tpu.memory_space<vmem_shared>>
        tpu.enqueue_dma source(%dma_start3A_250 : memref<112x128xf32, #tpu.memory_space<vmem_shared>>) target(%dma_start3A_248 : memref<112x128xf32, #tpu.memory_space<hbm>>) target_semaphore(%run_scoped3A : memref<!tpu.dma_semaphore, #tpu.memory_space<semaphore_mem>>)
        %dma_wait3A = arith.constant 0 : i32
        %dma_wait3A_251 = tpu.memref_slice %arg7[%add3A_239, %dma_wait3A] : memref<100352x128xf32, #tpu.memory_space<hbm>> -> memref<112x128xf32, #tpu.memory_space<hbm>>
        %dma_wait3A_252 = arith.constant 0 : i32
        %dma_wait3A_253 = tpu.memref_slice %arg20[%mul3A_236, %dma_wait3A_252] : memref<1808x128xf32, #tpu.memory_space<vmem_shared>> -> memref<112x128xf32, #tpu.memory_space<vmem_shared>>
        tpu.wait_dma2 semaphore(%run_scoped3A : memref<!tpu.dma_semaphore, #tpu.memory_space<semaphore_mem>>) src(%dma_wait3A_253 : memref<112x128xf32, #tpu.memory_space<vmem_shared>>) dst(%dma_wait3A_251 : memref<112x128xf32, #tpu.memory_space<hbm>>)
        tpu.yield
      }) : () -> ()
      %mul3A_240 = arith.constant 112 : i32
      %mul3A_241 = arith.muli %arg1, %mul3A_240 : i32
      "tpu.region"() ({
        %run_scoped3A = tpu.sem_alloc : memref<!tpu.dma_semaphore, #tpu.memory_space<semaphore_mem>>
        %dma_start3A = tpu.memref_slice %arg21[%mul3A_241] : memref<1808xf32, #tpu.memory_space<vmem_shared>> -> memref<112xf32, #tpu.memory_space<vmem_shared>>
        %dma_start3A_248 = tpu.memref_slice %arg21[%mul3A_241] : memref<1808xf32, #tpu.memory_space<vmem_shared>> -> memref<112xf32, #tpu.memory_space<vmem_shared>>
        tpu.enqueue_dma source(%dma_start3A_248 : memref<112xf32, #tpu.memory_space<vmem_shared>>) target(%arg19 : memref<112xf32, #tpu.memory_space<vmem>>) target_semaphore(%run_scoped3A : memref<!tpu.dma_semaphore, #tpu.memory_space<semaphore_mem>>)
        %dma_wait3A = tpu.memref_slice %arg21[%mul3A_241] : memref<1808xf32, #tpu.memory_space<vmem_shared>> -> memref<112xf32, #tpu.memory_space<vmem_shared>>
        %dma_wait3A_249 = tpu.memref_slice %arg21[%mul3A_241] : memref<1808xf32, #tpu.memory_space<vmem_shared>> -> memref<112xf32, #tpu.memory_space<vmem_shared>>
        tpu.wait_dma2 semaphore(%run_scoped3A : memref<!tpu.dma_semaphore, #tpu.memory_space<semaphore_mem>>) src(%dma_wait3A_249 : memref<112xf32, #tpu.memory_space<vmem_shared>>) dst(%arg19 : memref<112xf32, #tpu.memory_space<vmem>>)
        tpu.yield
      }) : () -> ()
      %mul3A_242 = arith.constant 112 : i32
      %mul3A_243 = arith.muli %arg1, %mul3A_242 : i32
      %add3A_244 = arith.addi %mul3A_71, %mul3A_243 : i32
      "tpu.region"() ({
        %run_scoped3A = tpu.sem_alloc : memref<!tpu.dma_semaphore, #tpu.memory_space<semaphore_mem>>
        %dma_start3A = tpu.memref_slice %arg8[%add3A_244] : memref<100352xf32, #tpu.memory_space<hbm>> -> memref<112xf32, #tpu.memory_space<hbm>>
        %dma_start3A_248 = tpu.memref_slice %arg8[%add3A_244] : memref<100352xf32, #tpu.memory_space<hbm>> -> memref<112xf32, #tpu.memory_space<hbm>>
        tpu.enqueue_dma source(%arg19 : memref<112xf32, #tpu.memory_space<vmem>>) target(%dma_start3A_248 : memref<112xf32, #tpu.memory_space<hbm>>) target_semaphore(%run_scoped3A : memref<!tpu.dma_semaphore, #tpu.memory_space<semaphore_mem>>)
        %dma_wait3A = tpu.memref_slice %arg8[%add3A_244] : memref<100352xf32, #tpu.memory_space<hbm>> -> memref<112xf32, #tpu.memory_space<hbm>>
        %dma_wait3A_249 = tpu.memref_slice %arg8[%add3A_244] : memref<100352xf32, #tpu.memory_space<hbm>> -> memref<112xf32, #tpu.memory_space<hbm>>
        tpu.wait_dma2 semaphore(%run_scoped3A : memref<!tpu.dma_semaphore, #tpu.memory_space<semaphore_mem>>) src(%arg19 : memref<112xf32, #tpu.memory_space<vmem>>) dst(%dma_wait3A_249 : memref<112xf32, #tpu.memory_space<hbm>>)
        tpu.yield
      }) : () -> ()
      %add3A_245 = arith.constant 1792 : i32
      %add3A_246 = vector.broadcast %add3A_245 : i32 to vector<16xi32>
      %add3A_247 = arith.addi %scan3A_66, %add3A_246 : vector<16xi32>
      scf.yield %add3A_247 : vector<16xi32>
    }
    %scan3A_64 = arith.constant 28 : i32
    return
  }
}

module attributes {stable_mosaic.version = 14 : i64} {
  func.func @_pext_body(%arg0: i32, %arg1: memref<2000x128xf32, #tpu.memory_space<vmem>>, %arg2: memref<128x128xf32, #tpu.memory_space<vmem>>, %arg3: memref<2000x128xf32, #tpu.memory_space<vmem>>) attributes {dimension_semantics = [#tpu.dimension_semantics<arbitrary>], iteration_bounds = array<i64: 25>, scalar_prefetch = 0 : i64, scratch_operands = 0 : i64, tpu.core_type = #tpu.core_type<tc>, window_params = [{transform_indices = @transform_0, window_bounds = array<i64: 2000, 128>}, {pipeline_mode = #tpu.pipeline_mode<synchronous>, transform_indices = @transform_1, window_bounds = array<i64: 128, 128>}, {transform_indices = @transform_2, window_bounds = array<i64: 2000, 128>}]} {
    %get3A = arith.constant 0 : index
    %get3A_0 = arith.constant 0 : index
    %get3A_1 = vector.load %arg1[%get3A, %get3A_0] : memref<2000x128xf32, #tpu.memory_space<vmem>>, vector<2000x128xf32>
    %get3A_2 = arith.constant 0 : index
    %get3A_3 = arith.constant 0 : index
    %get3A_4 = vector.load %arg2[%get3A_2, %get3A_3] : memref<128x128xf32, #tpu.memory_space<vmem>>, vector<128x128xf32>
    %dot_general3A = arith.constant dense<0.000000e+00> : vector<2000x128xf32>
    %dot_general3A_5 = tpu.matmul %get3A_1, %get3A_4, %dot_general3A {dimension_numbers = #tpu.dot_dimension_numbers<[1], [0], [0], [1], [0, 0, 1, 1], [], []>, transpose_lhs_hint = false} : vector<2000x128xf32>, vector<128x128xf32>, vector<2000x128xf32> -> vector<2000x128xf32>
    %swap3A = arith.constant 0 : index
    %swap3A_6 = arith.constant 0 : index
    %swap3A_7 = vector.load %arg3[%swap3A, %swap3A_6] : memref<2000x128xf32, #tpu.memory_space<vmem>>, vector<2000x128xf32>
    tpu.vector_store %arg3[%swap3A, %swap3A_6], %dot_general3A_5 {strides = array<i32>} : memref<2000x128xf32, #tpu.memory_space<vmem>>, vector<2000x128xf32>,
    return
  }
  func.func @transform_0(%arg0: i32) -> (i32, i32) {
    %c0_i32 = arith.constant 0 : i32
    %c0_i32_0 = arith.constant 0 : i32
    return %arg0, %c0_i32 : i32, i32
  }
  func.func @transform_1(%arg0: i32) -> (i32, i32) {
    %c0_i32 = arith.constant 0 : i32
    %c0_i32_0 = arith.constant 0 : i32
    %c0_i32_1 = arith.constant 0 : i32
    return %c0_i32, %c0_i32_0 : i32, i32
  }
  func.func @transform_2(%arg0: i32) -> (i32, i32) {
    %c0_i32 = arith.constant 0 : i32
    %c0_i32_0 = arith.constant 0 : i32
    return %arg0, %c0_i32 : i32, i32
  }
}

module attributes {stable_mosaic.version = 14 : i64} {
  func.func @_flow_body(%arg0: i32, %arg1: memref<2000x128xf32, #tpu.memory_space<vmem>>, %arg2: memref<2000x1xf32, #tpu.memory_space<vmem>>, %arg3: memref<2000x128xf32, #tpu.memory_space<vmem>>, %arg4: memref<128x128xf32, #tpu.memory_space<vmem>>, %arg5: memref<1x128xf32, #tpu.memory_space<vmem>>, %arg6: memref<128x384xf32, #tpu.memory_space<vmem>>, %arg7: memref<128x384xf32, #tpu.memory_space<vmem>>, %arg8: memref<1x384xf32, #tpu.memory_space<vmem>>, %arg9: memref<1x384xf32, #tpu.memory_space<vmem>>, %arg10: memref<128x128xf32, #tpu.memory_space<vmem>>, %arg11: memref<1x128xf32, #tpu.memory_space<vmem>>, %arg12: memref<128x64xf32, #tpu.memory_space<vmem>>, %arg13: memref<1x64xf32, #tpu.memory_space<vmem>>, %arg14: memref<64x16xf32, #tpu.memory_space<vmem>>, %arg15: memref<1x16xf32, #tpu.memory_space<vmem>>, %arg16: memref<2000x16xf32, #tpu.memory_space<vmem>>) attributes {dimension_semantics = [#tpu.dimension_semantics<arbitrary>], iteration_bounds = array<i64: 50>, scalar_prefetch = 0 : i64, scratch_operands = 0 : i64, tpu.core_type = #tpu.core_type<tc>, window_params = [{transform_indices = @transform_0, window_bounds = array<i64: 2000, 128>}, {transform_indices = @transform_1, window_bounds = array<i64: 2000, 1>}, {transform_indices = @transform_2, window_bounds = array<i64: 2000, 128>}, {pipeline_mode = #tpu.pipeline_mode<synchronous>, transform_indices = @transform_3, window_bounds = array<i64: 128, 128>}, {pipeline_mode = #tpu.pipeline_mode<synchronous>, transform_indices = @transform_4, window_bounds = array<i64: 1, 128>}, {pipeline_mode = #tpu.pipeline_mode<synchronous>, transform_indices = @transform_5, window_bounds = array<i64: 128, 384>}, {pipeline_mode = #tpu.pipeline_mode<synchronous>, transform_indices = @transform_6, window_bounds = array<i64: 128, 384>}, {pipeline_mode = #tpu.pipeline_mode<synchronous>, transform_indices = @transform_7, window_bounds = array<i64: 1, 384>}, {pipeline_mode = #tpu.pipeline_mode<synchronous>, transform_indices = @transform_8, window_bounds = array<i64: 1, 384>}, {pipeline_mode = #tpu.pipeline_mode<synchronous>, transform_indices = @transform_9, window_bounds = array<i64: 128, 128>}, {pipeline_mode = #tpu.pipeline_mode<synchronous>, transform_indices = @transform_10, window_bounds = array<i64: 1, 128>}, {pipeline_mode = #tpu.pipeline_mode<synchronous>, transform_indices = @transform_11, window_bounds = array<i64: 128, 64>}, {pipeline_mode = #tpu.pipeline_mode<synchronous>, transform_indices = @transform_12, window_bounds = array<i64: 1, 64>}, {pipeline_mode = #tpu.pipeline_mode<synchronous>, transform_indices = @transform_13, window_bounds = array<i64: 64, 16>}, {pipeline_mode = #tpu.pipeline_mode<synchronous>, transform_indices = @transform_14, window_bounds = array<i64: 1, 16>}, {transform_indices = @transform_15, window_bounds = array<i64: 2000, 16>}]} {
    %get3A = arith.constant 0 : index
    %get3A_0 = arith.constant 0 : index
    %get3A_1 = vector.load %arg1[%get3A, %get3A_0] : memref<2000x128xf32, #tpu.memory_space<vmem>>, vector<2000x128xf32>
    %get3A_2 = arith.constant 0 : index
    %get3A_3 = arith.constant 0 : index
    %get3A_4 = vector.load %arg3[%get3A_2, %get3A_3] : memref<2000x128xf32, #tpu.memory_space<vmem>>, vector<2000x128xf32>
    %get3A_5 = arith.constant 0 : index
    %get3A_6 = arith.constant 0 : index
    %get3A_7 = vector.load %arg2[%get3A_5, %get3A_6] : memref<2000x1xf32, #tpu.memory_space<vmem>>, vector<2000x1xf32>
    %min3A = arith.constant 1.000000e+00 : f32
    %min3A_8 = vector.broadcast %min3A : f32 to vector<2000x1xf32>
    %min3A_9 = arith.minimumf %get3A_7, %min3A_8 : vector<2000x1xf32>
    %max3A = arith.constant 1.000000e+00 : f32
    %max3A_10 = vector.broadcast %max3A : f32 to vector<2000x1xf32>
    %max3A_11 = arith.maximumf %get3A_7, %max3A_10 : vector<2000x1xf32>
    %get3A_12 = arith.constant 0 : index
    %get3A_13 = arith.constant 0 : index
    %get3A_14 = vector.load %arg4[%get3A_12, %get3A_13] : memref<128x128xf32, #tpu.memory_space<vmem>>, vector<128x128xf32>
    %dot_general3A = arith.constant dense<0.000000e+00> : vector<2000x128xf32>
    %dot_general3A_15 = tpu.matmul %get3A_4, %get3A_14, %dot_general3A {dimension_numbers = #tpu.dot_dimension_numbers<[1], [0], [0], [1], [0, 0, 1, 1], [], []>, transpose_lhs_hint = false} : vector<2000x128xf32>, vector<128x128xf32>, vector<2000x128xf32> -> vector<2000x128xf32>
    %get3A_16 = arith.constant 0 : index
    %get3A_17 = arith.constant 0 : index
    %get3A_18 = vector.load %arg5[%get3A_16, %get3A_17] : memref<1x128xf32, #tpu.memory_space<vmem>>, vector<1x128xf32>
    %add3A = vector.broadcast %get3A_18 : vector<1x128xf32> to vector<2000x128xf32>
    %add3A_19 = arith.addf %dot_general3A_15, %add3A : vector<2000x128xf32>
    %div3A = vector.broadcast %max3A_11 : vector<2000x1xf32> to vector<2000x128xf32>
    %div3A_20 = arith.divf %get3A_1, %div3A : vector<2000x128xf32>
    %mul3A = vector.broadcast %min3A_9 : vector<2000x1xf32> to vector<2000x128xf32>
    %mul3A_21 = arith.mulf %mul3A, %add3A_19 : vector<2000x128xf32>
    %add3A_22 = arith.addf %div3A_20, %mul3A_21 : vector<2000x128xf32>
    %get3A_23 = arith.constant 0 : index
    %get3A_24 = arith.constant 0 : index
    %get3A_25 = vector.load %arg6[%get3A_23, %get3A_24] : memref<128x384xf32, #tpu.memory_space<vmem>>, vector<128x384xf32>
    %dot_general3A_26 = arith.constant dense<0.000000e+00> : vector<2000x384xf32>
    %dot_general3A_27 = tpu.matmul %add3A_22, %get3A_25, %dot_general3A_26 {dimension_numbers = #tpu.dot_dimension_numbers<[1], [0], [0], [1], [0, 0, 1, 1], [], []>, transpose_lhs_hint = false} : vector<2000x128xf32>, vector<128x384xf32>, vector<2000x384xf32> -> vector<2000x384xf32>
    %get3A_28 = arith.constant 0 : index
    %get3A_29 = arith.constant 0 : index
    %get3A_30 = vector.load %arg8[%get3A_28, %get3A_29] : memref<1x384xf32, #tpu.memory_space<vmem>>, vector<1x384xf32>
    %add3A_31 = vector.broadcast %get3A_30 : vector<1x384xf32> to vector<2000x384xf32>
    %add3A_32 = arith.addf %dot_general3A_27, %add3A_31 : vector<2000x384xf32>
    %get3A_33 = arith.constant 0 : index
    %get3A_34 = arith.constant 0 : index
    %get3A_35 = vector.load %arg7[%get3A_33, %get3A_34] : memref<128x384xf32, #tpu.memory_space<vmem>>, vector<128x384xf32>
    %dot_general3A_36 = arith.constant dense<0.000000e+00> : vector<2000x384xf32>
    %dot_general3A_37 = tpu.matmul %get3A_4, %get3A_35, %dot_general3A_36 {dimension_numbers = #tpu.dot_dimension_numbers<[1], [0], [0], [1], [0, 0, 1, 1], [], []>, transpose_lhs_hint = false} : vector<2000x128xf32>, vector<128x384xf32>, vector<2000x384xf32> -> vector<2000x384xf32>
    %get3A_38 = arith.constant 0 : index
    %get3A_39 = arith.constant 0 : index
    %get3A_40 = vector.load %arg9[%get3A_38, %get3A_39] : memref<1x384xf32, #tpu.memory_space<vmem>>, vector<1x384xf32>
    %add3A_41 = vector.broadcast %get3A_40 : vector<1x384xf32> to vector<2000x384xf32>
    %add3A_42 = arith.addf %dot_general3A_37, %add3A_41 : vector<2000x384xf32>
    %slice3A = vector.extract_strided_slice %add3A_32 {offsets = [0, 0], sizes = [2000, 128], strides = [1, 1]} : vector<2000x384xf32> to vector<2000x128xf32>
    %slice3A_43 = vector.extract_strided_slice %add3A_42 {offsets = [0, 0], sizes = [2000, 128], strides = [1, 1]} : vector<2000x384xf32> to vector<2000x128xf32>
    %add3A_44 = arith.addf %slice3A, %slice3A_43 : vector<2000x128xf32>
    %logistic3A = arith.negf %add3A_44 : vector<2000x128xf32>
    %logistic3A_45 = math.exp %logistic3A : vector<2000x128xf32>
    %logistic3A_46 = arith.constant 1.000000e+00 : f32
    %logistic3A_47 = vector.broadcast %logistic3A_46 : f32 to vector<2000x128xf32>
    %logistic3A_48 = arith.addf %logistic3A_47, %logistic3A_45 : vector<2000x128xf32>
    %logistic3A_49 = arith.divf %logistic3A_47, %logistic3A_48 : vector<2000x128xf32>
    %slice3A_50 = vector.extract_strided_slice %add3A_32 {offsets = [0, 128], sizes = [2000, 128], strides = [1, 1]} : vector<2000x384xf32> to vector<2000x128xf32>
    %slice3A_51 = vector.extract_strided_slice %add3A_42 {offsets = [0, 128], sizes = [2000, 128], strides = [1, 1]} : vector<2000x384xf32> to vector<2000x128xf32>
    %add3A_52 = arith.addf %slice3A_50, %slice3A_51 : vector<2000x128xf32>
    %logistic3A_53 = arith.negf %add3A_52 : vector<2000x128xf32>
    %logistic3A_54 = math.exp %logistic3A_53 : vector<2000x128xf32>
    %logistic3A_55 = arith.constant 1.000000e+00 : f32
    %logistic3A_56 = vector.broadcast %logistic3A_55 : f32 to vector<2000x128xf32>
    %logistic3A_57 = arith.addf %logistic3A_56, %logistic3A_54 : vector<2000x128xf32>
    %logistic3A_58 = arith.divf %logistic3A_56, %logistic3A_57 : vector<2000x128xf32>
    %slice3A_59 = vector.extract_strided_slice %add3A_32 {offsets = [0, 256], sizes = [2000, 128], strides = [1, 1]} : vector<2000x384xf32> to vector<2000x128xf32>
    %slice3A_60 = vector.extract_strided_slice %add3A_42 {offsets = [0, 256], sizes = [2000, 128], strides = [1, 1]} : vector<2000x384xf32> to vector<2000x128xf32>
    %mul3A_61 = arith.mulf %logistic3A_49, %slice3A_60 : vector<2000x128xf32>
    %add3A_62 = arith.addf %slice3A_59, %mul3A_61 : vector<2000x128xf32>
    %tanh3A = math.tanh %add3A_62 : vector<2000x128xf32>
    %sub3A = arith.constant 1.000000e+00 : f32
    %sub3A_63 = vector.broadcast %sub3A : f32 to vector<2000x128xf32>
    %sub3A_64 = arith.subf %sub3A_63, %logistic3A_58 : vector<2000x128xf32>
    %mul3A_65 = arith.mulf %sub3A_64, %tanh3A : vector<2000x128xf32>
    %mul3A_66 = arith.mulf %logistic3A_58, %get3A_4 : vector<2000x128xf32>
    %add3A_67 = arith.addf %mul3A_65, %mul3A_66 : vector<2000x128xf32>
    %get3A_68 = arith.constant 0 : index
    %get3A_69 = arith.constant 0 : index
    %get3A_70 = vector.load %arg10[%get3A_68, %get3A_69] : memref<128x128xf32, #tpu.memory_space<vmem>>, vector<128x128xf32>
    %dot_general3A_71 = arith.constant dense<0.000000e+00> : vector<2000x128xf32>
    %dot_general3A_72 = tpu.matmul %add3A_67, %get3A_70, %dot_general3A_71 {dimension_numbers = #tpu.dot_dimension_numbers<[1], [0], [0], [1], [0, 0, 1, 1], [], []>, transpose_lhs_hint = false} : vector<2000x128xf32>, vector<128x128xf32>, vector<2000x128xf32> -> vector<2000x128xf32>
    %get3A_73 = arith.constant 0 : index
    %get3A_74 = arith.constant 0 : index
    %get3A_75 = vector.load %arg11[%get3A_73, %get3A_74] : memref<1x128xf32, #tpu.memory_space<vmem>>, vector<1x128xf32>
    %add3A_76 = vector.broadcast %get3A_75 : vector<1x128xf32> to vector<2000x128xf32>
    %add3A_77 = arith.addf %dot_general3A_72, %add3A_76 : vector<2000x128xf32>
    %max3A_78 = arith.constant 0.000000e+00 : f32
    %max3A_79 = vector.broadcast %max3A_78 : f32 to vector<2000x128xf32>
    %max3A_80 = arith.maximumf %add3A_77, %max3A_79 : vector<2000x128xf32>
    %get3A_81 = arith.constant 0 : index
    %get3A_82 = arith.constant 0 : index
    %get3A_83 = vector.load %arg12[%get3A_81, %get3A_82] : memref<128x64xf32, #tpu.memory_space<vmem>>, vector<128x64xf32>
    %dot_general3A_84 = arith.constant dense<0.000000e+00> : vector<2000x64xf32>
    %dot_general3A_85 = tpu.matmul %max3A_80, %get3A_83, %dot_general3A_84 {dimension_numbers = #tpu.dot_dimension_numbers<[1], [0], [0], [1], [0, 0, 1, 1], [], []>, transpose_lhs_hint = false} : vector<2000x128xf32>, vector<128x64xf32>, vector<2000x64xf32> -> vector<2000x64xf32>
    %get3A_86 = arith.constant 0 : index
    %get3A_87 = arith.constant 0 : index
    %get3A_88 = vector.load %arg13[%get3A_86, %get3A_87] : memref<1x64xf32, #tpu.memory_space<vmem>>, vector<1x64xf32>
    %add3A_89 = vector.broadcast %get3A_88 : vector<1x64xf32> to vector<2000x64xf32>
    %add3A_90 = arith.addf %dot_general3A_85, %add3A_89 : vector<2000x64xf32>
    %max3A_91 = arith.constant 0.000000e+00 : f32
    %max3A_92 = vector.broadcast %max3A_91 : f32 to vector<2000x64xf32>
    %max3A_93 = arith.maximumf %add3A_90, %max3A_92 : vector<2000x64xf32>
    %get3A_94 = arith.constant 0 : index
    %get3A_95 = arith.constant 0 : index
    %get3A_96 = vector.load %arg14[%get3A_94, %get3A_95] : memref<64x16xf32, #tpu.memory_space<vmem>>, vector<64x16xf32>
    %dot_general3A_97 = arith.constant dense<0.000000e+00> : vector<2000x16xf32>
    %dot_general3A_98 = tpu.matmul %max3A_93, %get3A_96, %dot_general3A_97 {dimension_numbers = #tpu.dot_dimension_numbers<[1], [0], [0], [1], [0, 0, 1, 1], [], []>, transpose_lhs_hint = false} : vector<2000x64xf32>, vector<64x16xf32>, vector<2000x16xf32> -> vector<2000x16xf32>
    %get3A_99 = arith.constant 0 : index
    %get3A_100 = arith.constant 0 : index
    %get3A_101 = vector.load %arg15[%get3A_99, %get3A_100] : memref<1x16xf32, #tpu.memory_space<vmem>>, vector<1x16xf32>
    %add3A_102 = vector.broadcast %get3A_101 : vector<1x16xf32> to vector<2000x16xf32>
    %add3A_103 = arith.addf %dot_general3A_98, %add3A_102 : vector<2000x16xf32>
    %reduce_max3A = arith.constant dense<0xFF800000> : vector<2000xf32>
    %reduce_max3A_104 = vector.multi_reduction <maximumf>, %add3A_103, %reduce_max3A [1] : vector<2000x16xf32> to vector<2000xf32>
    %broadcast_in_dim3A = vector.shape_cast %reduce_max3A_104 : vector<2000xf32> to vector<2000x1xf32>
    %sub3A_105 = vector.broadcast %broadcast_in_dim3A : vector<2000x1xf32> to vector<2000x16xf32>
    %sub3A_106 = arith.subf %add3A_103, %sub3A_105 : vector<2000x16xf32>
    %exp3A = math.exp %sub3A_106 : vector<2000x16xf32>
    %reduce_sum3A = arith.constant dense<0.000000e+00> : vector<2000xf32>
    %reduce_sum3A_107 = vector.multi_reduction <add>, %exp3A, %reduce_sum3A [1] : vector<2000x16xf32> to vector<2000xf32>
    %broadcast_in_dim3A_108 = vector.shape_cast %reduce_sum3A_107 : vector<2000xf32> to vector<2000x1xf32>
    %div3A_109 = vector.broadcast %broadcast_in_dim3A_108 : vector<2000x1xf32> to vector<2000x16xf32>
    %div3A_110 = arith.divf %exp3A, %div3A_109 : vector<2000x16xf32>
    %swap3A = arith.constant 0 : index
    %swap3A_111 = arith.constant 0 : index
    %swap3A_112 = vector.load %arg16[%swap3A, %swap3A_111] : memref<2000x16xf32, #tpu.memory_space<vmem>>, vector<2000x16xf32>
    tpu.vector_store %arg16[%swap3A, %swap3A_111], %div3A_110 {strides = array<i32>} : memref<2000x16xf32, #tpu.memory_space<vmem>>, vector<2000x16xf32>,
    return
  }
  func.func @transform_0(%arg0: i32) -> (i32, i32) {
    %c0_i32 = arith.constant 0 : i32
    %c0_i32_0 = arith.constant 0 : i32
    return %arg0, %c0_i32 : i32, i32
  }
  func.func @transform_1(%arg0: i32) -> (i32, i32) {
    %c0_i32 = arith.constant 0 : i32
    %c0_i32_0 = arith.constant 0 : i32
    return %arg0, %c0_i32 : i32, i32
  }
  func.func @transform_2(%arg0: i32) -> (i32, i32) {
    %c0_i32 = arith.constant 0 : i32
    %c0_i32_0 = arith.constant 0 : i32
    return %arg0, %c0_i32 : i32, i32
  }
  func.func @transform_3(%arg0: i32) -> (i32, i32) {
    %c0_i32 = arith.constant 0 : i32
    %c0_i32_0 = arith.constant 0 : i32
    %c0_i32_1 = arith.constant 0 : i32
    return %c0_i32, %c0_i32_0 : i32, i32
  }
  func.func @transform_4(%arg0: i32) -> (i32, i32) {
    %c0_i32 = arith.constant 0 : i32
    %c0_i32_0 = arith.constant 0 : i32
    %c0_i32_1 = arith.constant 0 : i32
    return %c0_i32, %c0_i32_0 : i32, i32
  }
  func.func @transform_5(%arg0: i32) -> (i32, i32) {
    %c0_i32 = arith.constant 0 : i32
    %c0_i32_0 = arith.constant 0 : i32
    %c0_i32_1 = arith.constant 0 : i32
    return %c0_i32, %c0_i32_0 : i32, i32
  }
  func.func @transform_6(%arg0: i32) -> (i32, i32) {
    %c0_i32 = arith.constant 0 : i32
    %c0_i32_0 = arith.constant 0 : i32
    %c0_i32_1 = arith.constant 0 : i32
    return %c0_i32, %c0_i32_0 : i32, i32
  }
  func.func @transform_7(%arg0: i32) -> (i32, i32) {
    %c0_i32 = arith.constant 0 : i32
    %c0_i32_0 = arith.constant 0 : i32
    %c0_i32_1 = arith.constant 0 : i32
    return %c0_i32, %c0_i32_0 : i32, i32
  }
  func.func @transform_8(%arg0: i32) -> (i32, i32) {
    %c0_i32 = arith.constant 0 : i32
    %c0_i32_0 = arith.constant 0 : i32
    %c0_i32_1 = arith.constant 0 : i32
    return %c0_i32, %c0_i32_0 : i32, i32
  }
  func.func @transform_9(%arg0: i32) -> (i32, i32) {
    %c0_i32 = arith.constant 0 : i32
    %c0_i32_0 = arith.constant 0 : i32
    %c0_i32_1 = arith.constant 0 : i32
    return %c0_i32, %c0_i32_0 : i32, i32
  }
  func.func @transform_10(%arg0: i32) -> (i32, i32) {
    %c0_i32 = arith.constant 0 : i32
    %c0_i32_0 = arith.constant 0 : i32
    %c0_i32_1 = arith.constant 0 : i32
    return %c0_i32, %c0_i32_0 : i32, i32
  }
  func.func @transform_11(%arg0: i32) -> (i32, i32) {
    %c0_i32 = arith.constant 0 : i32
    %c0_i32_0 = arith.constant 0 : i32
    %c0_i32_1 = arith.constant 0 : i32
    return %c0_i32, %c0_i32_0 : i32, i32
  }
  func.func @transform_12(%arg0: i32) -> (i32, i32) {
    %c0_i32 = arith.constant 0 : i32
    %c0_i32_0 = arith.constant 0 : i32
    %c0_i32_1 = arith.constant 0 : i32
    return %c0_i32, %c0_i32_0 : i32, i32
  }
  func.func @transform_13(%arg0: i32) -> (i32, i32) {
    %c0_i32 = arith.constant 0 : i32
    %c0_i32_0 = arith.constant 0 : i32
    %c0_i32_1 = arith.constant 0 : i32
    return %c0_i32, %c0_i32_0 : i32, i32
  }
  func.func @transform_14(%arg0: i32) -> (i32, i32) {
    %c0_i32 = arith.constant 0 : i32
    %c0_i32_0 = arith.constant 0 : i32
    %c0_i32_1 = arith.constant 0 : i32
    return %c0_i32, %c0_i32_0 : i32, i32
  }
  func.func @transform_15(%arg0: i32) -> (i32, i32) {
    %c0_i32 = arith.constant 0 : i32
    %c0_i32_0 = arith.constant 0 : i32
    return %arg0, %c0_i32 : i32, i32
  }
}

</mosaic_0001>

<sc_bundles>
// kernel: kernel.5.cloned.1.call-start
scs
__scs_entry_jumppad:
0x0: {  	(pc) =	sbr.rel $0x88, $3  }
0x1: {  	(tag) =	ssettag $0x0;
	lr =	simm.s32 $0x1  }
0x2: {  	[smem:$0x3F91] =	sst lr;
	_ =	strace $0xD0000000  }
0x3: {  	_ = 	snop  }
0x4: {  	_ = 	snop  }
0x5: {  	_ = 	snop  }
0x6: {  	_ = 	snop  }
0x7: {  	_ = 	snop  }
__scs_overlays_trampoline_lowered:
0x8: {  	[smem:$0x3FA0] =	sst s0  }
0x9: {  	[smem:$0x3FA1] =	sst s1  }
0xa: {  	[smem:$0x3FA2] =	sst s2  }
0xb: {  	[smem:$0x3FA3] =	sst s3  }
0xc: {  	[smem:$0x3FA4] =	sst s4  }
0xd: {  	[smem:$0x3FA5] =	sst s5  }
0xe: {  	[smem:$0x3FA6] =	sst s6  }
0xf: {  	[smem:$0x3FA7] =	sst s7  }
0x10: {  	[smem:$0x3FA8] =	sst s8  }
0x11: {  	[smem:$0x3FA9] =	sst s9;
	s0 =	simm.s32 @!p0 $0x0  }
0x12: {  	s1 =	sld [smem:$0x3F8F];
	s0 =	simm.s32 @p0 $0x1  }
0x13: {  	[smem:$0x3FAA] =	sst s0;
	s0 =	simm.s32 @!p1 $0x0  }
0x14: {  	s2 =	sld [smem:$0x3F8E];
	s0 =	simm.s32 @p1 $0x1  }
0x15: {  	[smem:$0x3FAB] =	sst s0;
	s0 =	simm.s32 @!p2 $0x0  }
0x16: {  	s3 =	sld [smem:$0x3FDB];
	s0 =	simm.s32 @p2 $0x1  }
0x17: {  	s4 =	simm.s32 $0x1BF5;
	[smem:$0x3FAD] =	sst s0  }
0x18: {  	s0 =	sld [smem:$0x3F90];
	_ =	swait.ge [sflag:s4], $0x0  }
0x19: {  	s7 =	sld [smem:$0x3F91]  }
0x1a: {  	s8 =	sadd.s32 $0xFFFFE003, lr  }
0x1b: {  	s9 =	sadd.s32 $0xFFFFFEF7, lr;
	s5 =	simm.s32 $0xFFFFFFFF;
	p2 =	slt.u32 s8, $0xFFFFF086  }
0x1c: {  	p1 =	slt.u32 s9, $0xF7A;
	s5 =	simm.s32 @!p2 $0x0  }
0x1d: {  	s5 =	simm.s32 @p1 $0x1;
	p0 =	seq.s32 s7, s2  }
0x1e: {  	s7 =	smul.u32 @!p0 $0xF7A, s2;
	p2 =	seq.s32 @!p0 s5, $0x0  }
0x1f: {  	s9 =	smul.u32 $0xF7A, s1;
	s8 =	simm.s32 @!p0 $0x1BF5;
	p2 =	por !p2, p0  }
0x20: {  	[sflag:s8] =	ssyncset.s32 @!p0 $0xFFFFF086;
	s6 =	sadd.s32 @!p0 s3, s7;
	s7 =	simm.s32 @!p0 $0x108  }
0x21: {  	s3 =	sadd.s32 s3, s9;
	s6 =	sadd.s32 @!p0 $0x88, s6;
	s7 =	simm.s32 @p2 $0x1082  }
0x22: {  	[simem:s7], [sflag:s8] =	dma.local @!p0 [hbm:s6], $0xF7A  }
0x23: {  	s9 =	sor.u32 $0xD0000000, s2;
	s6 =	simm.s32 $0x108;
	_ =	swait.ge @!p0 [sflag:s8], $0x0  }
0x24: {  	s3 =	sadd.s32 $0x88, s3;
	s6 =	simm.s32 @!p1 $0x1082;
	[sflag:s4] =	ssyncset.s32 $0xFFFFF086  }
0x25: {  	[simem:s6], [sflag:s4] =	dma.local [hbm:s3], $0xF7A  }
0x26: {  	[smem:$0x3F91] =	sst s1;
	(tag) =	ssettag s2;
	_ =	strace s9  }
0x27: {  	s1 =	sld [smem:$0x3FA1]  }
0x28: {  	s2 =	sld [smem:$0x3FA2]  }
0x29: {  	s4 =	sld [smem:$0x3FA4]  }
0x2a: {  	p0 =	seq.s32 s5, $0x0;
	s5 =	sld [smem:$0x3FA5]  }
0x2b: {  	s6 =	sld [smem:$0x3FA6]  }
0x2c: {  	s7 =	sld [smem:$0x3FA7]  }
0x2d: {  	s3 =	simm.s32 $0x108;
	s8 =	sld [smem:$0x3FA8]  }
0x2e: {  	s3 =	simm.s32 @!p0 $0x1082;
	s9 =	sld [smem:$0x3FA9]  }
0x2f: {  	lr =	sadd.s32 s0, s3;
	s0 =	sld [smem:$0x3FA0]  }
0x30: {  	s3 =	sld [smem:$0x3FA3]  }
0x31: {  	[smem:$0x3FAC] =	sst s10  }
0x32: {  	s10 =	sld [smem:$0x3FAA];
	_ =	sdelay $0x3  }
0x33: {  	p0 =	seq.s32 s10, $0x1;
	s10 =	sld [smem:$0x3FAC];
	_ =	sdelay $0x3  }
0x34: {  	[smem:$0x3FAC] =	sst s10  }
0x35: {  	s10 =	sld [smem:$0x3FAB];
	_ =	sdelay $0x3  }
0x36: {  	p1 =	seq.s32 s10, $0x1;
	s10 =	sld [smem:$0x3FAC];
	_ =	sdelay $0x3  }
0x37: {  	[smem:$0x3FAC] =	sst s10  }
0x38: {  	s10 =	sld [smem:$0x3FAD]  }
0x39: {  	_ = 	snop;
	(pc) =	sbr.ind lr, $3  }
0x3a: {  	_ = 	snop  }
0x3b: {  	_ = 	snop  }
0x3c: {  	p2 =	seq.s32 s10, $0x1;
	s10 =	sld [smem:$0x3FAC]  }
0x3d: {  	_ =	shalt  }
0x3e: {  	_ =	shalt  }
0x3f: {  	_ =	shalt  }
0x40: {  	_ =	shalt  }
0x41: {  	_ =	shalt  }
0x42: {  	_ =	shalt  }
0x43: {  	_ =	shalt  }
0x44: {  	_ =	shalt  }
0x45: {  	_ =	shalt  }
0x46: {  	_ =	shalt  }
0x47: {  	_ =	shalt  }
0x48: {  	_ =	shalt  }
0x49: {  	_ =	shalt  }
0x4a: {  	_ =	shalt  }
0x4b: {  	_ =	shalt  }
0x4c: {  	_ =	shalt  }
0x4d: {  	_ =	shalt  }
0x4e: {  	_ =	shalt  }
0x4f: {  	_ =	shalt  }
0x50: {  	_ =	shalt  }
0x51: {  	_ =	shalt  }
0x52: {  	_ =	shalt  }
0x53: {  	_ =	shalt  }
0x54: {  	_ =	shalt  }
0x55: {  	_ =	shalt  }
0x56: {  	_ =	shalt  }
0x57: {  	_ =	shalt  }
0x58: {  	_ =	shalt  }
0x59: {  	_ =	shalt  }
0x5a: {  	_ =	shalt  }
0x5b: {  	_ =	shalt  }
0x5c: {  	_ =	shalt  }
0x5d: {  	_ =	shalt  }
0x5e: {  	_ =	shalt  }
0x5f: {  	_ =	shalt  }
0x60: {  	_ =	shalt  }
0x61: {  	_ =	shalt  }
0x62: {  	_ =	shalt  }
0x63: {  	_ =	shalt  }
0x64: {  	_ =	shalt  }
0x65: {  	_ =	shalt  }
0x66: {  	_ =	shalt  }
0x67: {  	_ =	shalt  }
0x68: {  	_ =	shalt  }
0x69: {  	_ =	shalt  }
0x6a: {  	_ =	shalt  }
0x6b: {  	_ =	shalt  }
0x6c: {  	_ =	shalt  }
0x6d: {  	_ =	shalt  }
0x6e: {  	_ =	shalt  }
0x6f: {  	_ =	shalt  }
0x70: {  	_ =	shalt  }
0x71: {  	_ =	shalt  }
0x72: {  	_ =	shalt  }
0x73: {  	_ =	shalt  }
0x74: {  	_ =	shalt  }
0x75: {  	_ =	shalt  }
0x76: {  	_ =	shalt  }
0x77: {  	_ =	shalt  }
0x78: {  	_ =	shalt  }
0x79: {  	_ =	shalt  }
0x7a: {  	_ =	shalt  }
0x7b: {  	_ =	shalt  }
0x7c: {  	_ =	shalt  }
0x7d: {  	_ =	shalt  }
0x7e: {  	_ =	shalt  }
0x7f: {  	_ =	shalt  }
0x80: {  	_ =	shalt  }
0x81: {  	_ =	shalt  }
0x82: {  	_ =	shalt  }
0x83: {  	_ =	shalt  }
0x84: {  	_ =	shalt  }
0x85: {  	_ =	shalt  }
0x86: {  	_ =	shalt  }
0x87: {  	_ =	shalt  }
.Lfunc_end0:
.L_simem_size_0:
called_computation_lowered:
.L_overlay_start_0:
0x88: {  	s2 =	sld [smem:$0x3FD9]  }
0x89: {  	s3 =	sld [smem:$0x3FFE];
	_ =	sdelay $0x1  }
0x8a: {  	s1 =	srdreg.scid  }
0x8b: {  	s0 =	sand.u32 $0x1, s1  }
0x8c: {  	s17 =	sshll.u32 s0, $0xA;
	s2 =	sadd.s32 s3, s2  }
0x8d: {  	s2 =	sadd.s32 s2, s17  }
0x8e: {  	[smem:$0x3FB8] =	sst s2  }
0x8f: {  	_ = 	snop  }
0x90: {  	s2 =	sld [smem:$0x3FC7]  }
0x91: {  	s18 =	sld [smem:$0x3FC6]  }
0x92: {  	s4 =	sld [smem:$0x3FD0];
	(tm) =	ssettm $0x1  }
0x93: {  	s5 =	sld [smem:$0x3FFB];
	_ =	sdelay $0x3  }
0x94: {  	_ =	strace s5  }
0x95: {  	s5 =	sld [smem:$0x3FFC];
	_ =	sdelay $0x3  }
0x96: {  	_ =	strace s5  }
0x97: {  	s5 =	sld [smem:$0x3FFD];
	_ =	sdelay $0x3  }
0x98: {  	_ =	strace s5  }
0x99: {  	_ =	strace $0x8FFFFFFF  }
0x9a: {  	s19 =	sld [smem:$0x3FDB];
	_ =	sdelay $0x1  }
0x9b: {  	s6 =	simm.s32 $_scs_section_size  }
0x9c: {  	s7 =	simm.s32 $_size__tile_overlayer_lowered;
	s8 =	simm.s32 $_tile_overlayer_lowered  }
0x9d: {  	s22 =	simm.s32 $0x1BFF;
	s21 =	sshll.u32 s8, $0x1;
	s5 =	sadd.s32 s6, s19  }
0x9e: {  	s9 =	simm.s32 $0x0;
	s20 =	sshll.u32 s7, $0x1;
	s7 =	sadd.s32 s21, s5  }
0x9f: {  	[timem:s9], [sflag:s22] =	dma.local [hbm:s7], s20  }
0xa0: {  	_ =	swait.ge [sflag:s22], s20  }
0xa1: {  	s6 =	ssub.s32 $0x0, s20;
	[sflag:s22] =	ssyncset.done $0x0  }
0xa2: {  	[sflag:s22] =	ssyncadd.s32 s6;
	_ =	sdelay $0x1  }
0xa3: {  	s23 =	simm.s32 $0x1B8B  }
0xa4: {  	_ =	swait.ge [sflag:s23], $0x1  }
0xa5: {  	[sflag:s23] =	ssyncset.done $0x0  }
0xa6: {  	s25 =	simm.s32 $0x1B8E;
	s24 =	sld [smem:$0x3FFE];
	[sflag:s23] =	ssyncadd.s32 $0xFFFFFFFF  }
0xa7: {  	s26 =	simm.s32 $execute0_lowered;
	[smem:$0x3FD2] =	sst s25  }
0xa8: {  	s7 =	sshll.u32 s26, $0x1;
	_ =	strace $0x80000046;
	[dreg:$0x1] =	wrdreg $0xFFFFFFFF  }
0xa9: {  	s28 =	simm.s32 $_size_execute0_lowered;
	s5 =	sadd.s32 s5, s7;
	[dreg:$0x0] =	wrdreg $0x0  }
0xaa: {  	s7 =	sshll.u32 s28, $0x1;
	[dreg:$0x2] =	wrdreg s5  }
0xab: {  	[dreg:$0x3] =	wrdreg s7  }
0xac: {  	[dreg:$0x4] =	wrdreg $0xC0  }
0xad: {  	_ =	task [dreg:s9], $0x5FFFF  }
0xae: {  	[dreg:$0x1] =	wrdreg $0xFFFFFFFF  }
0xaf: {  	[dreg:$0x0] =	wrdreg $0x60  }
0xb0: {  	[dreg:$0x2] =	wrdreg s2  }
0xb1: {  	[dreg:$0x3] =	wrdreg s18  }
0xb2: {  	[dreg:$0x4] =	wrdreg s24  }
0xb3: {  	[dreg:$0x5] =	wrdreg s4  }
0xb4: {  	[dreg:$0x6] =	wrdreg $0x17F000  }
0xb5: {  	[dreg:$0x7] =	wrdreg $0x1B7800  }
0xb6: {  	[dreg:$0x8] =	wrdreg $0x9  }
0xb7: {  	_ =	task.clear_ibuf [dreg:s9], $0x9FFFF;
	_ =	strace $0x90000046  }
0xb8: {  	s29 =	simm.s32 $0x9;
	_ =	strace $0x80000048  }
0xb9: {  	_ =	swait.ge [sflag:s29], $0x1  }
0xba: {  	[sflag:s29] =	ssyncadd.s32 $0xFFFFFFFF  }
0xbb: {  	_ =	strace $0x90000048  }
0xbc: {  	_ =	sfence  }
0xbd: {  	s30 =	sld [smem:$0x0];
	_ =	sdelay $0x2  }
0xbe: {  	s31 =	sshll.u32 s1, $0xD;
	s1 =	sshrl.u32 s1, $0x2  }
0xbf: {  	s3 =	sand.u32 $0x4000, s31;
	s1 =	sadd.s32 s1, s30  }
0xc0: {  	s0 =	sor.u32 s3, s0;
	s1 =	sshll.u32 s1, $0x11  }
0xc1: {  	s0 =	sor.u32 s1, s0  }
0xc2: {  	s0 =	sadd.s32 $0x8F2B, s0  }
0xc3: {  	[sflag:s0] =	ssyncadd.remote.s32 $0x1  }
0xc4: {  	_ =	sfence.sel $0xFFFF  }
0xc5: {  	[dreg:$0x0] =	wrdreg $0xFFFFFFFF;
	(pc) =	sbr.abs _section_cstart, $3  }
0xc6: {  	[dreg:$0x1] =	wrdreg $0xFFFFFFFF  }
0xc7: {  	_ =	task.clear_ibuf [dreg:s9], $0x2FFFF;
	_ =	strace $0x9FFFFFFF  }
0xc8: {  	(tm) =	ssettm $0x7FFFFFFF  }
0xc9: {  	_ =	shalt  }
tec
execute0_lowered:
.L_overlay_start_1:
0x0: {  	(tag) =	ssettag $0x1  }
0x1: {  	s0 =	rddreg [dreg:$0x0]  }
0x2: {  	s6 =	rddreg [dreg:$0x1]  }
0x3: {  	s8 =	rddreg [dreg:$0x2]  }
0x4: {  	s1 =	rddreg [dreg:$0x3]  }
0x5: {  	s2 =	rddreg [dreg:$0x4];
	v0 =	vimm.s32 $0xEDCBA987;
	v1 =	vimm.f32 $0.0e+00  }
0x6: {  	s3 =	rddreg [dreg:$0x5];
	s4 =	simm.s32 $0x0;
	v3 =	vimm.s32 $0x65432100;
	v5 =	vimm.s32 $0xDCBA9876;
	v6 =	vimm.s32 $0x54321000  }
0x7: {  	s5 =	srdreg.scid;
	s17 =	stileid.u32;
	v7 =	vimm.s32 $0xBA987654;
	v8 =	vimm.s32 $0xE40000;
	v9 =	vimm.s32 $0x32100000;
	s16 =	simm.s32 $0x2  }
0x8: {  	vm0 =	vmmov $0x3;
	s21 =	simm.s32 $0x17E00;
	vm1 =	vmmov $0xf;
	vm2 =	vcmask $0x3F30;
	s22 =	simm.s32 $0x1;
	s23 =	simm.s32 $0x80  }
0x9: {  	s24 =	simm.s32 $0x13C00;
	s25 =	simm.s32 $0x13D00;
	v11 =	vimm.s32 $0x700;
	s28 =	simm.s32 $0x17D00;
	v2 =	vunpack.c.l.s4.s8 v0;
	v0 =	vimm.f32 $1.000000000e+00  }
0xa: {  	s29 =	simm.s32 $0x17E80;
	s30 =	simm.s32 $0x0;
	[smem:$0x7FF] =	sst s4;
	v3 =	vunpack.c.l.s4.s8 v3;
	v5 =	vunpack.c.l.s4.s8 v5;
	v6 =	vunpack.c.l.s4.s8 v6  }
0xb: {  	s9 =	sand.u32 $0x1, s5;
	s5 =	sadd.s32 $0x3E00, s8;
	s13 =	smul.u32 $0x9C4, s17;
	v7 =	vunpack.c.l.s4.s8 v7;
	v8 =	vunpack.c.l.s2.s4 v8;
	v9 =	vunpack.c.l.s4.s8 v9  }
0xc: {  	s14 =	smul.u32 $0xE000, s17;
	s31 =	sshll.u32 s17, $0x6;
	_ =	strace $0x80000047;
	v4 =	vunpack.c.0.s8.s32 v2;
	v2 =	vimm.s32 $0x0;
	v5 =	vunpack.c.0.s8.s32 v5  }
0xd: {  	s7 =	sshll.u32 s9, $0x4;
	s10 =	ssub.s32 $0x2, s9;
	s19 =	sor.u32 $0x1C02, s31;
	v3 =	vunpack.c.0.s8.s32 v3;
	v6 =	vunpack.c.0.s8.s32 v6;
	v7 =	vunpack.c.0.s8.s32 v7  }
0xe: {  	s12 =	sadd.s32 s7, s8;
	s7 =	sadd.s32 $0xC7600, s8;
	s11 =	sshrl.u32 s10, $0x1;
	v8 =	vunpack.c.l.s4.s8 v8;
	v4 =	vand.u32 $0xF, v4;
	v5 =	vand.u32 $0xF, v5  }
.Ltmp0:
0xf: {  	s8 =	sadd.s32 $0xC7E00, s8;
	s0 =	sadd.s32 s0, s13;
	v7 =	vand.u32 $0xF, v7;
	v5 =	vcombine.low v6, v5;
	v6 =	vunpack.c.0.s8.s32 v9;
	(pc) =	sbr.rel .LBB2_1-.Ltmp0, $4  }
0x10: {  	s26 =	sshrl.u32 s14, $0x2;
	s15 =	ssub.s32 s10, s11;
	[dreg:$0x7] =	wrdreg s0;
	v8 =	vunpack.c.0.s8.s32 v8;
	v3 =	vcombine.low v3, v4;
	v9 =	vimm.s32 $0x7060504  }
0x11: {  	s10 =	sadd.s32 s6, s13;
	s11 =	smul.u32 $0x70, s17;
	s12 =	sadd.s32 $0xC7400, s12;
	v4 =	vlaneseq.u32;
	v6 =	vcombine.low v6, v7;
	v7 =	vunpack.c.0.s8.s32 v9  }
0x12: {  	s13 =	smul.u32 $0x1C, s9;
	s0 =	sadd.s32 s26, s2;
	s26 =	simm.s32 $0x13C80;
	v8 =	vand.u32 $0x3, v8;
	v10 =	vor.u32 $0x10, v4;
	v9 =	vimm.s32 $0x7  }
0x13: {  	s15 =	smax.u32 s15, $0x1;
	s20 =	sshrl.u32 s0, $0x3;
	s14 =	sadd.s32 s11, s3;
	v7 =	vsel vm2, v7, v8;
	vm2 =	vmmov $0xff;
	v8 =	vimm.s32 $0xF  }
.LBB2_9:
0x14: {  	s30 =	sadd.s32 $0x1, s30  }
0x15: {  	p0 =	sne.s32 s30, s15  }
.Ltmp1:
0x16: {  	_ = 	snop;
	(pc) =	sbr.rel @!p0 .LBB2_10-.Ltmp1, $1  }
0x17: {  	_ =	sdelay $0x3  }
.LBB2_1:
0x18: {  	s0 =	rddreg [dreg:$0x7]  }
0x19: {  	[tilespmem:s4], [sflag:$0x2] =	stream.linear.gather [hbm4b:s0+s4], $0x4E20, $0x38;
	[tilespmem:$0x1B7F8] =	vst v63  }
0x1a: {  	_ =	swait.ge [sflag:s16], $0x4E20  }
0x1b: {  	[sflag:s16] =	ssyncset.done $0x0  }
0x1c: {  	s17 =	simm.s32 $0x4E80;
	[sflag:s16] =	ssyncadd.s32 $0xFFFFB1E0  }
0x1d: {  	[tilespmem:s17], [sflag:$0x2] =	stream.linear.gather [hbm4b:s10+s4], $0x4E20, $0x38;
	[tilespmem:$0x1B7F8] =	vst v63  }
0x1e: {  	_ =	swait.ge [sflag:s16], $0x4E20  }
0x1f: {  	[sflag:s16] =	ssyncset.done $0x0  }
0x20: {  	s18 =	simm.s32 $0x17D80;
	[sflag:s16] =	ssyncadd.s32 $0xFFFFB1E0  }
0x21: {  	[tilespmem:s18], [sflag:$0x2] =	stream.linear.gather [hbm4b:s12+s4], $0x80, $0x38;
	[tilespmem:$0x1B7F8] =	vst v63  }
0x22: {  	_ =	swait.ge [sflag:s16], $0x80  }
0x23: {  	[sflag:s16] =	ssyncset.done $0x0  }
0x24: {  	[sflag:s16] =	ssyncadd.s32 $0xFFFFFF80  }
0x25: {  	[tilespmem:$0x17D00] =	vst v0  }
0x26: {  	[tilespmem:$0x17D10] =	vst v0  }
0x27: {  	[tilespmem:$0x17D20] =	vst v0  }
0x28: {  	[tilespmem:$0x17D30] =	vst v0  }
0x29: {  	[tilespmem:$0x17D40] =	vst v0  }
0x2a: {  	[tilespmem:$0x17D50] =	vst v0  }
0x2b: {  	[tilespmem:$0x17D60] =	vst v0  }
0x2c: {  	[tilespmem:$0x17D70] =	vst v0  }
0x2d: {  	[tilespmem:$0x17E00] =	vst v1  }
0x2e: {  	[tilespmem:$0x17E10] =	vst v1  }
.Ltmp2:
0x2f: {  	[tilespmem:$0x17E20] =	vst v1;
	(pc) =	sbr.rel .LBB2_2-.Ltmp2, $4  }
0x30: {  	[tilespmem:$0x17E30] =	vst v1  }
0x31: {  	[tilespmem:$0x17E40] =	vst v1  }
0x32: {  	[tilespmem:$0x17E50] =	vst v1  }
0x33: {  	s31 =	simm.s32 $0x0;
	[tilespmem:$0x17E60] =	vst v1;
	v12 =	vld [tilespmem:$0x17D80]  }
.LBB2_7:
0x34: {  	[sflag:s16] =	ssyncadd.s32 $0xFFFFFF80  }
.LBB2_8:
0x35: {  	s0 =	sadd.s32 s13, s31  }
0x36: {  	s0 =	smul.u32 $0x700, s0;
	_ =	sdelay $0x1  }
0x37: {  	s0 =	sadd.s32 s11, s0  }
0x38: {  	s6 =	sshll.u32 s0, $0x4  }
0x39: {  	[bflag:$0x0] =	sbarrier.arrive $0xFFFF;
	s6 =	sadd.s32 s8, s6  }
0x3a: {  	[hbm:s6], [sflag:s19] =	dma.local [spmem:s20], $0x700  }
0x3b: {  	_ =	swait.ge [sflag:s16], $0x700  }
0x3c: {  	[sflag:s16] =	ssyncset.done $0x0  }
0x3d: {  	[sflag:s16] =	ssyncadd.s32 $0xFFFFF900  }
0x3e: {  	[tilespmem:s29], [sflag:$0x2] =	stream.linear.gather [spmem:s14], $0x70, $0x38;
	[tilespmem:$0x1B7F8] =	vst v63  }
0x3f: {  	s31 =	sadd.s32 $0x1, s31;
	_ =	swait.ge [sflag:s16], $0x70  }
0x40: {  	p0 =	sne.s32 s31, $0x1C;
	s0 =	sshrl.u32 s0, $0x3;
	[sflag:s16] =	ssyncset.done $0x0  }
.Ltmp3:
0x41: {  	s0 =	sadd.s32 s1, s0;
	[sflag:s16] =	ssyncadd.s32 $0xFFFFFF90;
	(pc) =	sbr.rel @!p0 .LBB2_9-.Ltmp3, $4  }
0x42: {  	[hbm4b:s0+s4] =	stream.linear.scatter [tilespmem:s29], [sflag:$0x2], $0x70, $0x38;
	[tilespmem:$0x1B7F8] =	vst v63  }
0x43: {  	_ =	swait.ge [sflag:s16], $0x70  }
0x44: {  	[sflag:s16] =	ssyncset.done $0x0  }
0x45: {  	v12 =	vadd.s32 $0x700, v12;
	[sflag:s16] =	ssyncadd.s32 $0xFFFFFF90  }
.LBB2_2:
0x46: {  	[spmem:s20], [sflag:s19] =	dma.local [hbm:s7], $0x700  }
0x47: {  	_ =	swait.ge [sflag:s16], $0x700  }
0x48: {  	[sflag:s16] =	ssyncset.done $0x0  }
0x49: {  	[sflag:s16] =	ssyncadd.s32 $0xFFFFF900  }
0x4a: {  	[spmem:s14] =	stream.linear.scatter [tilespmem:s21], [sflag:$0x2], $0x70, $0x38;
	[tilespmem:$0x1B7F8] =	vst v63  }
0x4b: {  	_ =	swait.ge [sflag:s16], $0x70  }
0x4c: {  	[sflag:s16] =	ssyncset.done $0x0  }
0x4d: {  	[sflag:s16] =	ssyncadd.s32 $0xFFFFFF90  }
0x4e: {  	s17 =	simm.s32 $0x0;
	[bflag:$0x0] =	sbarrier.arrive $0xFFFF  }
0x4f: {  	v13 =	vld [tilespmem:s17+$0x4E90]  }
0x50: {  	v15 =	vld [tilespmem:s17+$0x4E80];
	_ =	sdelay $0x3  }
0x51: {  	v14 =	vsub.s32 v13, v12  }
0x52: {  	v13 =	vsub.s32 v15, v12;
	vm3 =	vlt.u32 v14, $0x700  }
0x53: {  	vm4 =	vlt.u32 v13, $0x700;
	v15 =	vsel vm3, $0x1, v2  }
0x54: {  	v17 =	vsel vm4, $0x1, v2;
	v16 =	vperm.xlane v15, v3  }
0x55: {  	vm3 =	veq.s32 v4, $0x0;
	v18 =	vperm.xlane v17, v3  }
0x56: {  	v16 =	vsel vm3, $0x0, v16  }
0x57: {  	v18 =	vsel vm3, $0x0, v18;
	v16 =	vadd.s32 v15, v16  }
0x58: {  	s6 =	simm.s32 $0x0;
	s18 =	simm.s32 $0x80;
	s0 =	simm.s32 $0x0;
	v15 =	vadd.s32 v17, v18;
	v17 =	vperm.xlane v16, v5  }
.LBB2_3:
0x59: {  	p0 =	sne.s32 s18, $0x13800;
	v18 =	vperm.xlane v15, v5;
	s9 =	smov.u32 s18;
	s18 =	sadd.s32 $0x80, s18  }
0x5a: {  	v17 =	vsel vm0, $0x0, v17  }
0x5b: {  	s9 =	sshra.s32 s9, $0x2;
	v18 =	vsel vm0, $0x0, v18;
	v16 =	vadd.s32 v17, v16  }
0x5c: {  	v15 =	vadd.s32 v18, v15;
	v17 =	vperm.xlane v16, v6  }
0x5d: {  	v18 =	vperm.xlane v15, v6  }
0x5e: {  	v17 =	vsel vm1, $0x0, v17  }
0x5f: {  	v18 =	vsel vm1, $0x0, v18;
	v16 =	vadd.s32 v17, v16  }
0x60: {  	v15 =	vadd.s32 v18, v15;
	v17 =	vperm.xlane v16, v7  }
0x61: {  	v18 =	vperm.xlane v15, v7  }
0x62: {  	v17 =	vsel vm2, $0x0, v17  }
0x63: {  	v18 =	vsel vm2, $0x0, v18;
	v16 =	vadd.s32 v17, v16  }
0x64: {  	v15 =	vadd.s32 v18, v15;
	v17 =	vperm.xlane v16, v9  }
0x65: {  	v18 =	vperm.xlane v15, v8;
	v19 =	vperm.xlane v15, v9  }
0x66: {  	v20 =	vperm.xlane v16, v8;
	vm4 =	vgt.s32 v17, v4  }
0x67: {  	vm5 =	vgt.s32 v19, v4;
	v17 =	vsel vm4, $0x7, v8;
	(v2sf) =	vpush v18, $0x0  }
0x68: {  	v19 =	vsel vm5, $0x7, v8;
	v21 =	vadd.s32 $0xFFFFFFFC, v17;
	(v2sf) =	vpush v20, $0x0  }
0x69: {  	v23 =	vsub.s32 v4, v18;
	v20 =	vadd.s32 $0xFFFFFFFC, v19;
	v22 =	vperm.xlane v16, v21  }
0x6a: {  	v18 =	vsub.s32 v10, v18;
	v24 =	vperm.xlane v15, v20  }
0x6b: {  	vm5 =	vlt.s32 v18, $0xF;
	vm4 =	vgt.s32 v22, v4  }
0x6c: {  	v18 =	vnsel vm5, $0xF, v18;
	vm6 =	vgt.s32 v24, v4;
	v17 =	vsel vm4, v21, v17  }
0x6d: {  	v19 =	vsel vm6, v20, v19;
	v20 =	vadd.s32 $0xFFFFFFFE, v17  }
0x6e: {  	v21 =	vadd.s32 $0xFFFFFFFE, v19;
	v22 =	vperm.xlane v16, v20  }
0x6f: {  	v24 =	vperm.xlane v15, v21  }
0x70: {  	vm4 =	vgt.s32 v22, v4  }
0x71: {  	vm5 =	vgt.s32 v24, v4;
	v17 =	vsel vm4, v20, v17  }
0x72: {  	v19 =	vsel vm5, v21, v19;
	v20 =	vld [tilespmem:s17+$0x10];
	v21 =	vadd.s32 $0xFFFFFFFF, v17  }
0x73: {  	v22 =	vld [tilespmem:s17+$0x0];
	v24 =	vadd.s32 $0xFFFFFFFF, v19;
	v16 =	vperm.xlane v16, v21;
	s17 =	smov.u32 s9  }
0x74: {  	v15 =	vperm.xlane v15, v24  }
0x75: {  	vm4 =	vgt.s32 v16, v4;
	v16 =	vand.u32 $0xF, v18  }
0x76: {  	vm5 =	vgt.s32 v15, v4;
	v15 =	vsel vm4, v21, v17;
	vm4 =	vlt.s32 v23, $0x0;
	s9 =	spop (v2sf)  }
0x77: {  	v17 =	vsel vm5, v24, v19;
	v18 =	vperm.xlane v20, v15;
	v14 =	vperm.xlane v14, v15;
	s6 =	sadd.s32 s6, s9;
	s9 =	spop (v2sf)  }
0x78: {  	v15 =	vperm.xlane v22, v17;
	v13 =	vperm.xlane v13, v17;
	v17 =	vsel vm4, $0x0, v23;
	s6 =	sadd.s32 s9, s6  }
0x79: {  	v17 =	vand.u32 $0xF, v17;
	v19 =	vperm.xlane v18, v16;
	v16 =	vperm.xlane v14, v16  }
0x7a: {  	v18 =	vperm.xlane v18, v17;
	v14 =	vperm.xlane v14, v17  }
0x7b: {  	[tilespmem:s0+$0x9D10] =	vst v19  }
0x7c: {  	v15 =	vsel vm4, v15, v18;
	v13 =	vsel vm4, v13, v14;
	[tilespmem:s0+$0xEC90] =	vst v16  }
0x7d: {  	[tilespmem:s0+$0x9D00] =	vst v15  }
0x7e: {  	[tilespmem:s0+$0xEC80] =	vst v13;
	s0 =	smov.u32 s6  }
0x7f: {  	v13 =	vld [tilespmem:s17+$0x4E90]  }
0x80: {  	v15 =	vld [tilespmem:s17+$0x4E80];
	_ =	sdelay $0x3  }
0x81: {  	v14 =	vsub.s32 v13, v12  }
0x82: {  	v13 =	vsub.s32 v15, v12;
	vm4 =	vlt.u32 v14, $0x700  }
0x83: {  	vm5 =	vlt.u32 v13, $0x700;
	v15 =	vsel vm4, $0x1, v2  }
.Ltmp4:
0x84: {  	v17 =	vsel vm5, $0x1, v2;
	v16 =	vperm.xlane v15, v3;
	(pc) =	sbr.rel @p0 .LBB2_3-.Ltmp4, $4  }
0x85: {  	v18 =	vperm.xlane v17, v3  }
0x86: {  	v16 =	vsel vm3, $0x0, v16  }
0x87: {  	v18 =	vsel vm3, $0x0, v18;
	v16 =	vadd.s32 v15, v16  }
0x88: {  	v15 =	vadd.s32 v17, v18;
	v17 =	vperm.xlane v16, v5  }
0x89: {  	_ = 	snop  }
0x8a: {  	v18 =	vperm.xlane v15, v5;
	v17 =	vsel vm0, $0x0, v17  }
0x8b: {  	v16 =	vadd.s32 v17, v16  }
0x8c: {  	v48 =	vsel vm0, $0x0, v18;
	v49 =	vperm.xlane v16, v6  }
0x8d: {  	v15 =	vadd.s32 v48, v15  }
0x8e: {  	v17 =	vperm.xlane v15, v6;
	v18 =	vsel vm1, $0x0, v49  }
0x8f: {  	v16 =	vadd.s32 v18, v16  }
0x90: {  	v17 =	vsel vm1, $0x0, v17;
	v18 =	vperm.xlane v16, v7  }
0x91: {  	v15 =	vadd.s32 v17, v15  }
0x92: {  	v17 =	vperm.xlane v15, v7;
	v18 =	vsel vm2, $0x0, v18  }
0x93: {  	v16 =	vadd.s32 v18, v16  }
0x94: {  	v17 =	vsel vm2, $0x0, v17;
	v18 =	vperm.xlane v16, v9  }
0x95: {  	v15 =	vadd.s32 v17, v15  }
0x96: {  	v17 =	vperm.xlane v15, v9;
	vm3 =	vgt.s32 v18, v4  }
0x97: {  	v18 =	vsel vm3, $0x7, v8  }
0x98: {  	vm3 =	vgt.s32 v17, v4;
	v50 =	vadd.s32 $0xFFFFFFFC, v18  }
0x99: {  	v19 =	vsel vm3, $0x7, v8;
	v20 =	vperm.xlane v16, v50  }
0x9a: {  	v21 =	vadd.s32 $0xFFFFFFFC, v19  }
0x9b: {  	v22 =	vperm.xlane v15, v8;
	v23 =	vperm.xlane v15, v21;
	vm3 =	vgt.s32 v20, v4  }
0x9c: {  	v51 =	vperm.xlane v16, v8;
	v17 =	vsel vm3, v50, v18  }
0x9d: {  	(v2sf) =	vpush v22, $0x0;
	vm3 =	vgt.s32 v23, v4;
	v18 =	vadd.s32 $0xFFFFFFFE, v17  }
0x9e: {  	(v2sf) =	vpush v51, $0x0;
	v19 =	vsel vm3, v21, v19;
	v52 =	vperm.xlane v16, v18  }
0x9f: {  	v21 =	vadd.s32 $0xFFFFFFFE, v19  }
0xa0: {  	v53 =	vperm.xlane v15, v21;
	vm3 =	vgt.s32 v52, v4  }
0xa1: {  	v17 =	vsel vm3, v18, v17  }
0xa2: {  	v54 =	vld [tilespmem:s17+$0x10];
	vm3 =	vgt.s32 v53, v4;
	v55 =	vadd.s32 $0xFFFFFFFF, v17  }
0xa3: {  	v56 =	vsub.s32 v10, v22;
	v19 =	vsel vm3, v21, v19;
	v16 =	vperm.xlane v16, v55  }
0xa4: {  	v57 =	vld [tilespmem:s17+$0x0];
	v58 =	vsub.s32 v4, v22;
	vm3 =	vlt.s32 v56, $0xF;
	v24 =	vadd.s32 $0xFFFFFFFF, v19  }
0xa5: {  	v23 =	vnsel vm3, $0xF, v56;
	v15 =	vperm.xlane v15, v24;
	vm3 =	vgt.s32 v16, v4  }
0xa6: {  	vm4 =	vlt.s32 v58, $0x0;
	v17 =	vsel vm3, v55, v17  }
0xa7: {  	v59 =	vand.u32 $0xF, v23;
	vm3 =	vgt.s32 v15, v4;
	v15 =	vperm.xlane v54, v17  }
0xa8: {  	v16 =	vsel vm4, $0x0, v58;
	v60 =	vsel vm3, v24, v19;
	v14 =	vperm.xlane v14, v17  }
0xa9: {  	v16 =	vand.u32 $0xF, v16;
	v61 =	vperm.xlane v57, v60;
	v62 =	vperm.xlane v15, v59  }
0xaa: {  	v63 =	vperm.xlane v14, v59;
	v15 =	vperm.xlane v15, v16  }
0xab: {  	v13 =	vperm.xlane v13, v60;
	v14 =	vperm.xlane v14, v16;
	[tilespmem:s0+$0x9D10] =	vst v62  }
0xac: {  	s9 =	spop (v2sf);
	v15 =	vsel vm4, v61, v15;
	[tilespmem:s0+$0xEC90] =	vst v63  }
0xad: {  	s6 =	sadd.s32 s6, s9;
	s18 =	spop (v2sf);
	v13 =	vsel vm4, v13, v14;
	[tilespmem:s0+$0x9D00] =	vst v15  }
0xae: {  	s6 =	sadd.s32 s18, s6;
	[tilespmem:s0+$0xEC80] =	vst v13  }
0xaf: {  	[tilespmem:s6+$0x9D00] =	vst v2  }
0xb0: {  	[tilespmem:s6+$0xEC80] =	vst v11  }
0xb1: {  	[tilespmem:s6+$0x9D10] =	vst v2  }
0xb2: {  	s0 =	sadd.s32 $0x7F, s6;
	[tilespmem:s6+$0xEC90] =	vst v11  }
0xb3: {  	[tilespmem:s6+$0x9D20] =	vst v2;
	s17 =	sand.u32 $0x7F, s0  }
0xb4: {  	[tilespmem:s6+$0xECA0] =	vst v11;
	s18 =	sshra.s32 s0, $0x1F;
	p1 =	slt.s32 s0, $0x1;
	p0 =	sne.s32 s17, $0x0  }
0xb5: {  	[tilespmem:s6+$0x9D30] =	vst v2;
	s9 =	sshrl.u32 s18, $0x19;
	p0 =	por !p1, !p0  }
0xb6: {  	[tilespmem:s6+$0xECB0] =	vst v11;
	s0 =	sadd.s32 s9, s0;
	s9 =	simm.s32 $0x1;
	p0 =	por !p0, !p0  }
0xb7: {  	[tilespmem:s6+$0x9D40] =	vst v2;
	s0 =	sshra.s32 s0, $0x7;
	s9 =	simm.s32 @!p0 $0x0  }
0xb8: {  	[tilespmem:s6+$0xECC0] =	vst v11;
	s9 =	ssub.s32 s0, s9  }
0xb9: {  	[tilespmem:s6+$0x9D50] =	vst v2;
	p0 =	slt.s32 s9, $0x1  }
.Ltmp5:
0xba: {  	[tilespmem:s6+$0xECD0] =	vst v11;
	(pc) =	sbr.rel @p0 .LBB2_8-.Ltmp5, $4  }
0xbb: {  	[tilespmem:s6+$0x9D60] =	vst v2  }
0xbc: {  	[tilespmem:s6+$0xECE0] =	vst v11  }
0xbd: {  	[tilespmem:s6+$0x9D70] =	vst v2  }
0xbe: {  	[tilespmem:s6+$0xECF0] =	vst v11  }
0xbf: {  	s0 =	simm.s32 $0x9D40  }
0xc0: {  	v13 =	vld [tilespmem:s0+$0xFFFFFFC0];
	_ =	sdelay $0x4  }
0xc1: {  	s6 =	simm.s32 $0xECC0;
	[tilespmem:$0x13C00] =	vst v13  }
0xc2: {  	v13 =	vld [tilespmem:s6+$0xFFFFFFC0];
	_ =	sdelay $0x4  }
0xc3: {  	[tilespmem:$0x13C80] =	vst v13  }
0xc4: {  	v13 =	vld [tilespmem:s0+$0xFFFFFFD0];
	_ =	sdelay $0x4  }
0xc5: {  	[tilespmem:$0x13C10] =	vst v13  }
0xc6: {  	v13 =	vld [tilespmem:s6+$0xFFFFFFD0];
	_ =	sdelay $0x4  }
0xc7: {  	[tilespmem:$0x13C90] =	vst v13  }
0xc8: {  	v13 =	vld [tilespmem:s0+$0xFFFFFFE0];
	_ =	sdelay $0x4  }
0xc9: {  	[tilespmem:$0x13C20] =	vst v13  }
0xca: {  	v13 =	vld [tilespmem:s6+$0xFFFFFFE0];
	_ =	sdelay $0x4  }
0xcb: {  	[tilespmem:$0x13CA0] =	vst v13  }
0xcc: {  	v13 =	vld [tilespmem:s0+$0xFFFFFFF0];
	_ =	sdelay $0x4  }
0xcd: {  	[tilespmem:$0x13C30] =	vst v13  }
0xce: {  	v13 =	vld [tilespmem:s6+$0xFFFFFFF0];
	_ =	sdelay $0x4  }
0xcf: {  	[tilespmem:$0x13CB0] =	vst v13  }
0xd0: {  	v13 =	vld [tilespmem:s0+$0x0];
	_ =	sdelay $0x4  }
0xd1: {  	[tilespmem:$0x13C40] =	vst v13  }
0xd2: {  	v13 =	vld [tilespmem:s6+$0x0];
	_ =	sdelay $0x4  }
0xd3: {  	[tilespmem:$0x13CC0] =	vst v13  }
0xd4: {  	v13 =	vld [tilespmem:s0+$0x10];
	_ =	sdelay $0x4  }
0xd5: {  	[tilespmem:$0x13C50] =	vst v13  }
0xd6: {  	v13 =	vld [tilespmem:s6+$0x10];
	_ =	sdelay $0x4  }
0xd7: {  	[tilespmem:$0x13CD0] =	vst v13  }
0xd8: {  	v13 =	vld [tilespmem:s0+$0x20];
	_ =	sdelay $0x4  }
0xd9: {  	[tilespmem:$0x13C60] =	vst v13  }
0xda: {  	v13 =	vld [tilespmem:s6+$0x20];
	_ =	sdelay $0x4  }
0xdb: {  	[tilespmem:$0x13CE0] =	vst v13  }
0xdc: {  	v13 =	vld [tilespmem:s0+$0x30];
	_ =	sdelay $0x4  }
0xdd: {  	[tilespmem:$0x13C70] =	vst v13  }
0xde: {  	v13 =	vld [tilespmem:s6+$0x30];
	_ =	sdelay $0x4  }
0xdf: {  	[tilespmem:$0x13CF0] =	vst v13  }
0xe0: {  	[tilespmem:s25], [sflag:$0x1] =	stream.indirect.gather [hbm4b:s5+s23], $0x80, s24, s23, $0xb8;
	[tilespmem:$0x1B7F8] =	vst v63  }
0xe1: {  	_ =	swait.ge [sflag:s22], $0x4000  }
0xe2: {  	[sflag:s22] =	ssyncset.done $0x0  }
0xe3: {  	[sflag:s22] =	ssyncadd.s32 $0xFFFFC000  }
0xe4: {  	[spmem:s2] =	stream.indirect.scatter.add.f32 [tilespmem:s25], [sflag:$0x2], $0x80, s26, s23, $0xb8;
	[tilespmem:$0x1B7F8] =	vst v63  }
0xe5: {  	p0 =	sne.s32 s9, $0x1;
	_ =	swait.ge [sflag:s16], $0x4000  }
.Ltmp6:
0xe6: {  	[sflag:s16] =	ssyncset.done $0x0;
	(pc) =	sbr.rel @!p0 .LBB2_7-.Ltmp6, $4  }
0xe7: {  	[sflag:s16] =	ssyncadd.s32 $0xFFFFC000  }
0xe8: {  	[spmem:s3] =	stream.indirect.scatter.add.f32 [tilespmem:s28], [sflag:$0x2], $0x1, s26, s23, $0xb8;
	[tilespmem:$0x1B7F8] =	vst v63  }
0xe9: {  	_ =	swait.ge [sflag:s16], $0x80  }
0xea: {  	s17 =	sadd.s32 $0xFFFFFFFF, s9;
	[sflag:s16] =	ssyncset.done $0x0  }
.LBB2_6:
0xeb: {  	[sflag:s16] =	ssyncadd.s32 $0xFFFFFF80;
	s0 =	sadd.s32 $0x80, s0;
	s6 =	sadd.s32 $0x80, s6  }
0xec: {  	p0 =	sne.s32 s17, $0x1;
	s17 =	sadd.s32 $0xFFFFFFFF, s17;
	v13 =	vld [tilespmem:s0+$0xFFFFFFC0];
	_ =	sdelay $0x4  }
0xed: {  	[tilespmem:$0x13C00] =	vst v13  }
0xee: {  	v13 =	vld [tilespmem:s6+$0xFFFFFFC0];
	_ =	sdelay $0x4  }
0xef: {  	[tilespmem:$0x13C80] =	vst v13  }
0xf0: {  	v13 =	vld [tilespmem:s0+$0xFFFFFFD0];
	_ =	sdelay $0x4  }
0xf1: {  	[tilespmem:$0x13C10] =	vst v13  }
0xf2: {  	v13 =	vld [tilespmem:s6+$0xFFFFFFD0];
	_ =	sdelay $0x4  }
0xf3: {  	[tilespmem:$0x13C90] =	vst v13  }
0xf4: {  	v13 =	vld [tilespmem:s0+$0xFFFFFFE0];
	_ =	sdelay $0x4  }
0xf5: {  	[tilespmem:$0x13C20] =	vst v13  }
0xf6: {  	v13 =	vld [tilespmem:s6+$0xFFFFFFE0];
	_ =	sdelay $0x4  }
0xf7: {  	[tilespmem:$0x13CA0] =	vst v13  }
0xf8: {  	v13 =	vld [tilespmem:s0+$0xFFFFFFF0];
	_ =	sdelay $0x4  }
0xf9: {  	[tilespmem:$0x13C30] =	vst v13  }
0xfa: {  	v13 =	vld [tilespmem:s6+$0xFFFFFFF0];
	_ =	sdelay $0x4  }
0xfb: {  	[tilespmem:$0x13CB0] =	vst v13  }
0xfc: {  	v13 =	vld [tilespmem:s0+$0x0];
	_ =	sdelay $0x4  }
0xfd: {  	[tilespmem:$0x13C40] =	vst v13  }
0xfe: {  	v13 =	vld [tilespmem:s6+$0x0];
	_ =	sdelay $0x4  }
0xff: {  	[tilespmem:$0x13CC0] =	vst v13  }
0x100: {  	v13 =	vld [tilespmem:s0+$0x10];
	_ =	sdelay $0x4  }
0x101: {  	[tilespmem:$0x13C50] =	vst v13  }
0x102: {  	v13 =	vld [tilespmem:s6+$0x10];
	_ =	sdelay $0x4  }
0x103: {  	[tilespmem:$0x13CD0] =	vst v13  }
0x104: {  	v13 =	vld [tilespmem:s0+$0x20];
	_ =	sdelay $0x4  }
0x105: {  	[tilespmem:$0x13C60] =	vst v13  }
0x106: {  	v13 =	vld [tilespmem:s6+$0x20];
	_ =	sdelay $0x4  }
0x107: {  	[tilespmem:$0x13CE0] =	vst v13  }
0x108: {  	v13 =	vld [tilespmem:s0+$0x30];
	_ =	sdelay $0x4  }
0x109: {  	[tilespmem:$0x13C70] =	vst v13  }
0x10a: {  	v13 =	vld [tilespmem:s6+$0x30];
	_ =	sdelay $0x4  }
0x10b: {  	[tilespmem:$0x13CF0] =	vst v13  }
0x10c: {  	[tilespmem:s25], [sflag:$0x1] =	stream.indirect.gather [hbm4b:s5+s23], $0x80, s24, s23, $0xb8;
	[tilespmem:$0x1B7F8] =	vst v63  }
0x10d: {  	_ =	swait.ge [sflag:s22], $0x4000  }
0x10e: {  	[sflag:s22] =	ssyncset.done $0x0  }
0x10f: {  	[sflag:s22] =	ssyncadd.s32 $0xFFFFC000  }
0x110: {  	[spmem:s2] =	stream.indirect.scatter.add.f32 [tilespmem:s25], [sflag:$0x2], $0x80, s26, s23, $0xb8;
	[tilespmem:$0x1B7F8] =	vst v63  }
0x111: {  	_ =	swait.ge [sflag:s16], $0x4000  }
.Ltmp7:
0x112: {  	[sflag:s16] =	ssyncset.done $0x0;
	(pc) =	sbr.rel @p0 .LBB2_6-.Ltmp7, $4  }
0x113: {  	[sflag:s16] =	ssyncadd.s32 $0xFFFFC000  }
0x114: {  	[spmem:s3] =	stream.indirect.scatter.add.f32 [tilespmem:s28], [sflag:$0x2], $0x1, s26, s23, $0xb8;
	[tilespmem:$0x1B7F8] =	vst v63  }
0x115: {  	_ =	swait.ge [sflag:s16], $0x80  }
0x116: {  	[sflag:s16] =	ssyncset.done $0x0  }
.Ltmp8:
0x117: {  	_ = 	snop;
	(pc) =	sbr.rel .LBB2_7-.Ltmp8, $1  }
0x118: {  	_ =	sdelay $0x3  }
.LBB2_10:
0x119: {  	_ =	sfence.sel $0x180000  }
0x11a: {  	[bflag:$0x0] =	sbarrier.arrive $0xFFFF  }
0x11b: {  	_ =	strace $0x90000047  }
0x11c: {  	s0 =	stileid.u32;
	[bflag:$0x2] =	sbarrier.arrive $0xFFFF  }
0x11d: {  	p0 =	sne.s32 s0, $0x0;
	s0 =	rddreg [dreg:$0x6]  }
0x11e: {  	s0 =	sadd.s32 @!p0 $0x100000, s0  }
0x11f: {  	[sflag:s0] =	ssyncadd.tile.s32 @!p0 $0x1;
	_ =	shalt  }
.Lfunc_end2:
_tile_overlayer_lowered:
.L_overlay_start_2:
0x120: {  	(tag) =	ssettag $0x2  }
0x121: {  	s0 =	rddreg [dreg:$0x0];
	s2 =	stileid.u32  }
0x122: {  	s1 =	rddreg [dreg:$0x1];
	p0 =	sne.s32 s2, $0x0  }
0x123: {  	s3 =	rddreg [dreg:$0x2];
	[bflag:$0x3] =	sbarrier.arrive $0xFFFF;
	s2 =	simm.s32 @!p0 $0x1C02  }
0x124: {  	[timem:s3], [sflag:s2] =	dma.local @!p0 [hbm:s0], s1  }
0x125: {  	s0 =	simm.s32 @!p0 $0x2  }
0x126: {  	_ =	swait.ge @!p0 [sflag:s0], s1  }
0x127: {  	s1 =	ssub.s32 @!p0 $0x0, s1;
	[sflag:s0] =	ssyncset.done @!p0 $0x0  }
0x128: {  	[sflag:s0] =	ssyncadd.s32 @!p0 s1  }
0x129: {  	[bflag:$0x3] =	sbarrier.arrive $0xFFFF  }
0x12a: {  	_ =	shalt  }

</sc_bundles>
